<compile_context>
chip_gen: v7x
topology: tpu7x:2x2x1
jax: 0.10.2.dev20260603
libtpu: 0.0.44.dev20260713+nightly
codegen_flags: <defaults>
</compile_context>

<pallas_src>
import functools

import jax
import jax.numpy as jnp
from jax import lax
from jax.experimental import pallas as pl
from jax.experimental.pallas import tpu as pltpu
from jax.experimental.pallas import tpu_sc as plsc

N_NODES = 10000
D_FEAT = 128
E_HID = 64
E_ORIG = 320000

NC = 2
NS = 16
NW = NC * NS

TW = E_HID // 2
E_W = E_ORIG // NW
CHUNK = 400
NCH_W = E_W // CHUNK


def _mlp_body(f_ref, w1_ref, b1_ref, w2_ref, b2_ref, out_ref, bf_ref):
    h = jnp.dot(f_ref[...], w1_ref[...], preferred_element_type=jnp.float32)
    h = jnp.maximum(h + b1_ref[...], 0.0)
    out = jnp.dot(h, w2_ref[...], preferred_element_type=jnp.float32)
    rep = out + b2_ref[...]
    out_ref[...] = rep
    bf_ref[...] = rep.astype(jnp.bfloat16)


def _mlp(features, W1, b1, W2, b2):
    return pl.pallas_call(
        _mlp_body,
        out_shape=(
            jax.ShapeDtypeStruct((N_NODES, E_HID), jnp.float32),
            jax.ShapeDtypeStruct((N_NODES, E_HID), jnp.bfloat16),
        ),
    )(features, W1, b1.reshape(1, E_HID), W2, b2.reshape(1, E_HID))


def _edge_scores_body(tab_hbm, src_hbm, dst_hbm, out_hbm,
                      table_sp, idx0_v, idx1_v,
                      rows0a, rows1a, rows0b, rows1b, outa, outb,
                      sem_a, sem_b, sem_oa, sem_ob):
    sid = lax.axis_index("s")
    wid = sid * NC + lax.axis_index("c")
    lane = lax.iota(jnp.int32, 16)
    base = wid * E_W

    rows0 = (rows0a, rows0b)
    rows1 = (rows1a, rows1b)
    outs = (outa, outb)
    sems = (sem_a, sem_b)
    sem_o = (sem_oa, sem_ob)

    rows_per_sub = N_NODES // NS
    st = pltpu.async_copy(tab_hbm.at[pl.ds(sid * rows_per_sub, rows_per_sub)],
                          table_sp.at[pl.ds(sid * rows_per_sub, rows_per_sub)],
                          sem_a)
    s0 = pltpu.async_copy(src_hbm.at[pl.ds(base, E_W)], idx0_v, sem_b)
    s1 = pltpu.async_copy(dst_hbm.at[pl.ds(base, E_W)], idx1_v, sem_b)
    st.wait()
    s0.wait()
    s1.wait()
    plsc.subcore_barrier()

    def fire(c, b):
        pltpu.async_copy(table_sp.at[idx0_v.at[pl.ds(c * CHUNK, CHUNK)]],
                         rows0[b], sems[b])
        pltpu.async_copy(table_sp.at[idx1_v.at[pl.ds(c * CHUNK, CHUNK)]],
                         rows1[b], sems[b])

    def wait_rows(b):
        pltpu.make_async_copy(table_sp.at[idx0_v.at[pl.ds(0, CHUNK)]],
                              rows0[b], sems[b]).wait()
        pltpu.make_async_copy(table_sp.at[idx1_v.at[pl.ds(0, CHUNK)]],
                              rows1[b], sems[b]).wait()

    def wait_out(b):
        pltpu.make_async_copy(outs[b], out_hbm.at[pl.ds(0, CHUNK)],
                              sem_o[b]).wait()

    def compute(c, b):
        r0, r1, ov = rows0[b], rows1[b], outs[b]

        def grp_body(g, _):
            row = g * 16 + lane

            def half_body(h, accs):
                hbase = h * (TW // 2)
                for dd in range(TW // 2):
                    col = (lane + hbase + dd) & (TW - 1)
                    w0 = plsc.load_gather(r0, [row, col])
                    w1 = plsc.load_gather(r1, [row, col])
                    alo, ahi = plsc.unpack(plsc.bitcast(w0, jnp.bfloat16),
                                           format=plsc.PackFormat.INTERLEAVED,
                                           preferred_element_type=jnp.float32)
                    blo, bhi = plsc.unpack(plsc.bitcast(w1, jnp.bfloat16),
                                           format=plsc.PackFormat.INTERLEAVED,
                                           preferred_element_type=jnp.float32)
                    k = (dd % 2) * 2
                    accs = list(accs)
                    accs[k] = accs[k] + alo * blo
                    accs[k + 1] = accs[k + 1] + ahi * bhi
                return tuple(accs)

            zero = jnp.zeros((16,), jnp.float32)
            accs = lax.fori_loop(0, 2, half_body, (zero, zero, zero, zero))
            s = (accs[0] + accs[1]) + (accs[2] + accs[3])
            ov[pl.ds(g * 16, 16)] = jnp.maximum(s, 0.0)
            return 0

        lax.fori_loop(0, CHUNK // 16, grp_body, 0)
        pltpu.async_copy(ov, out_hbm.at[pl.ds(base + c * CHUNK, CHUNK)],
                         sem_o[b])

    fire(0, 0)

    def body2(i2, _):
        for b in (0, 1):
            c = 2 * i2 + b

            @pl.when(c < NCH_W)
            def _():
                @pl.when(c + 1 < NCH_W)
                def _():
                    fire(c + 1, (b + 1) & 1)

                wait_rows(b)

                @pl.when(c >= 2)
                def _():
                    wait_out(b)

                compute(c, b)

        return 0

    lax.fori_loop(0, (NCH_W + 1) // 2, body2, 0)
    wait_out(0)
    wait_out(1)


@functools.partial(jax.jit, static_argnums=())
def _edge_scores(packed_tab, src_idx, dst_idx):
    mesh = plsc.VectorSubcoreMesh(core_axis_name="c", subcore_axis_name="s")
    kfn = pl.kernel(
        _edge_scores_body,
        out_type=jax.ShapeDtypeStruct((E_ORIG,), jnp.float32),
        mesh=mesh,
        compiler_params=pltpu.CompilerParams(
            needs_layout_passes=False, use_tc_tiling_on_sc=False),
        scratch_types=[
            pltpu.VMEM_SHARED((N_NODES, TW), jnp.int32),
            pltpu.VMEM((E_W,), jnp.int32),
            pltpu.VMEM((E_W,), jnp.int32),
            pltpu.VMEM((CHUNK, TW), jnp.int32),
            pltpu.VMEM((CHUNK, TW), jnp.int32),
            pltpu.VMEM((CHUNK, TW), jnp.int32),
            pltpu.VMEM((CHUNK, TW), jnp.int32),
            pltpu.VMEM((CHUNK,), jnp.float32),
            pltpu.VMEM((CHUNK,), jnp.float32),
            pltpu.SemaphoreType.DMA,
            pltpu.SemaphoreType.DMA,
            pltpu.SemaphoreType.DMA,
            pltpu.SemaphoreType.DMA,
        ],
    )
    return kfn(packed_tab, src_idx, dst_idx)


def kernel(edge_index, pred_edge_index, predictor_weights, features, W1, b1, W2, b2):
    representations, rep_bf = _mlp(features, W1, b1, W2, b2)
    packed_tab = jax.lax.bitcast_convert_type(
        rep_bf.reshape(N_NODES, TW, 2), jnp.int32)
    weights = _edge_scores(packed_tab, edge_index[0], edge_index[1])
    total_edge_index = jnp.concatenate([edge_index, pred_edge_index], axis=1)
    return (representations, weights, total_edge_index, edge_index)

# --- scband reference (transcript-rebuilt; emitter-appended) ---
"""Pipeline reference for scband-estimate-adj-23596550324898 (READ-ONLY COPY).

The authoritative reference and input builder live on the scoring server;
editing this copy changes nothing except your own understanding.
"""

import jax, jax.numpy as jnp
import numpy as np

N_NODES = 10000
D_FEAT = 128
E_HID = 64
E_ORIG = 320000
E_PRED = 320000


def setup_inputs(seed: int = 0) -> dict:
    key = jax.random.key(seed)
    k1, k2, k3, k4, k5, k6, k7, k8 = jax.random.split(key, 8)
    edge_index = jax.random.randint(k1, (2, E_ORIG), 0, N_NODES, dtype=jnp.int64 if jax.config.jax_enable_x64 else jnp.int32).astype(jnp.int32)
    pred_edge_index = jax.random.randint(k2, (2, E_PRED), 0, N_NODES).astype(jnp.int32)
    predictor_weights = jax.random.normal(k3, (E_ORIG,), dtype=jnp.float32)
    features = jax.random.normal(k4, (N_NODES, D_FEAT), dtype=jnp.float32)
    # DeepMLP_edge estimator parameters: Linear(nfea, edge_hidden) -> ReLU -> Linear(edge_hidden, edge_hidden)
    W1 = jax.random.normal(k5, (D_FEAT, E_HID), dtype=jnp.float32) * (1.0 / np.sqrt(D_FEAT))
    b1 = jnp.zeros((E_HID,), dtype=jnp.float32)
    W2 = jax.random.normal(k6, (E_HID, E_HID), dtype=jnp.float32) * (1.0 / np.sqrt(E_HID))
    b2 = jnp.zeros((E_HID,), dtype=jnp.float32)
    return {"edge_index": edge_index, "pred_edge_index": pred_edge_index,
            "predictor_weights": predictor_weights, "features": features,
            "W1": W1, "b1": b1, "W2": W2, "b2": b2}


def reference(edge_index, pred_edge_index, predictor_weights, features, W1, b1, W2, b2):
    # EstimateAdj.forward with epoch=0 (epoch % edge_change_epoch == 0 but epoch > 0 is False -> else branch)
    orig_edge_size = edge_index.shape[1]
    total_edge_index = jnp.concatenate([edge_index, pred_edge_index], axis=1)
    # representations = self.estimator(features)  (DeepMLP_edge)
    h = jax.nn.relu(features @ W1 + b1)
    representations = h @ W2 + b2
    # get_estimated_weigths: per-edge dot product of endpoint representations + relu
    x0 = jnp.take(representations, total_edge_index[0], axis=0)
    x1 = jnp.take(representations, total_edge_index[1], axis=0)
    output = jnp.sum(x0 * x1, axis=1)
    estimated_weights = jax.nn.relu(output)
    # else branch: keep only original-edge weights
    predictor_weights_out = estimated_weights[:orig_edge_size]
    return (representations, predictor_weights_out, total_edge_index, edge_index)

if __name__ == "__main__":
    import jax
    _d = setup_inputs()
    print(jax.jit(kernel)(*tuple(_d.values())))

</pallas_src>

<mosaic_0001>
#map = affine_map<(d0, d1) -> (0, 0)>
#map1 = affine_map<(d0, d1) -> (0)>
module attributes {stable_mosaic.version = 14 : i64} {
  func.func @_edge_scores_body(%arg0: i32, %arg1: i32, %arg2: memref<10000x32xi32, #tpu.memory_space<hbm>>, %arg3: memref<320000xi32, #tpu.memory_space<hbm>>, %arg4: memref<320000xi32, #tpu.memory_space<hbm>>, %arg5: memref<320000xf32, #tpu.memory_space<hbm>>, %arg6: memref<10000x32xi32, #tpu.memory_space<vmem_shared>>, %arg7: memref<10000xi32, #tpu.memory_space<vmem>>, %arg8: memref<10000xi32, #tpu.memory_space<vmem>>, %arg9: memref<400x32xi32, #tpu.memory_space<vmem>>, %arg10: memref<400x32xi32, #tpu.memory_space<vmem>>, %arg11: memref<400x32xi32, #tpu.memory_space<vmem>>, %arg12: memref<400x32xi32, #tpu.memory_space<vmem>>, %arg13: memref<400xf32, #tpu.memory_space<vmem>>, %arg14: memref<400xf32, #tpu.memory_space<vmem>>, %arg15: memref<!tpu.dma_semaphore, #tpu.memory_space<semaphore_mem>>, %arg16: memref<!tpu.dma_semaphore, #tpu.memory_space<semaphore_mem>>, %arg17: memref<!tpu.dma_semaphore, #tpu.memory_space<semaphore_mem>>, %arg18: memref<!tpu.dma_semaphore, #tpu.memory_space<semaphore_mem>>) attributes {dimension_semantics = [#tpu.dimension_semantics<core_parallel>, #tpu.dimension_semantics<subcore_parallel>], iteration_bounds = array<i64: 2, 16>, scalar_prefetch = 0 : i64, scratch_operands = 13 : i64, tpu.core_type = #tpu.core_type<sc_vector_subcore>, window_params = [{transform_indices = #map}, {transform_indices = #map1}, {transform_indices = #map1}, {transform_indices = #map1}]} {
    %mul3A = arith.constant 2 : i32
    %mul3A_0 = arith.muli %arg1, %mul3A : i32
    %add3A = arith.addi %mul3A_0, %arg0 : i32
    %iota3A = tpu.iota {dimensions = array<i32: 0>} : vector<16xi32>
    %mul3A_1 = arith.constant 10000 : i32
    %mul3A_2 = arith.muli %add3A, %mul3A_1 : i32
    %mul3A_3 = arith.constant 625 : i32
    %mul3A_4 = arith.muli %arg1, %mul3A_3 : i32
    %mul3A_5 = arith.constant 625 : i32
    %mul3A_6 = arith.muli %arg1, %mul3A_5 : i32
    %dma_start3A = arith.constant 0 : i32
    %dma_start3A_7 = tpu.memref_slice %arg6[%mul3A_6, %dma_start3A] : memref<10000x32xi32, #tpu.memory_space<vmem_shared>> -> memref<625x32xi32, #tpu.memory_space<vmem_shared>>
    %dma_start3A_8 = arith.constant 0 : i32
    %dma_start3A_9 = tpu.memref_slice %arg2[%mul3A_4, %dma_start3A_8] : memref<10000x32xi32, #tpu.memory_space<hbm>> -> memref<625x32xi32, #tpu.memory_space<hbm>>
    tpu.enqueue_dma source(%dma_start3A_9 : memref<625x32xi32, #tpu.memory_space<hbm>>) target(%dma_start3A_7 : memref<625x32xi32, #tpu.memory_space<vmem_shared>>) target_semaphore(%arg15 : memref<!tpu.dma_semaphore, #tpu.memory_space<semaphore_mem>>)
    %dma_start3A_10 = tpu.memref_slice %arg3[%mul3A_2] : memref<320000xi32, #tpu.memory_space<hbm>> -> memref<10000xi32, #tpu.memory_space<hbm>>
    %dma_start3A_11 = tpu.memref_slice %arg3[%mul3A_2] : memref<320000xi32, #tpu.memory_space<hbm>> -> memref<10000xi32, #tpu.memory_space<hbm>>
    tpu.enqueue_dma source(%dma_start3A_11 : memref<10000xi32, #tpu.memory_space<hbm>>) target(%arg7 : memref<10000xi32, #tpu.memory_space<vmem>>) target_semaphore(%arg16 : memref<!tpu.dma_semaphore, #tpu.memory_space<semaphore_mem>>)
    %dma_start3A_12 = tpu.memref_slice %arg4[%mul3A_2] : memref<320000xi32, #tpu.memory_space<hbm>> -> memref<10000xi32, #tpu.memory_space<hbm>>
    %dma_start3A_13 = tpu.memref_slice %arg4[%mul3A_2] : memref<320000xi32, #tpu.memory_space<hbm>> -> memref<10000xi32, #tpu.memory_space<hbm>>
    tpu.enqueue_dma source(%dma_start3A_13 : memref<10000xi32, #tpu.memory_space<hbm>>) target(%arg8 : memref<10000xi32, #tpu.memory_space<vmem>>) target_semaphore(%arg16 : memref<!tpu.dma_semaphore, #tpu.memory_space<semaphore_mem>>)
    %dma_wait3A = arith.constant 0 : i32
    %dma_wait3A_14 = tpu.memref_slice %arg6[%mul3A_6, %dma_wait3A] : memref<10000x32xi32, #tpu.memory_space<vmem_shared>> -> memref<625x32xi32, #tpu.memory_space<vmem_shared>>
    %dma_wait3A_15 = arith.constant 0 : i32
    %dma_wait3A_16 = tpu.memref_slice %arg2[%mul3A_4, %dma_wait3A_15] : memref<10000x32xi32, #tpu.memory_space<hbm>> -> memref<625x32xi32, #tpu.memory_space<hbm>>
    tpu.wait_dma2 semaphore(%arg15 : memref<!tpu.dma_semaphore, #tpu.memory_space<semaphore_mem>>) src(%dma_wait3A_16 : memref<625x32xi32, #tpu.memory_space<hbm>>) dst(%dma_wait3A_14 : memref<625x32xi32, #tpu.memory_space<vmem_shared>>)
    %dma_wait3A_17 = tpu.memref_slice %arg3[%mul3A_2] : memref<320000xi32, #tpu.memory_space<hbm>> -> memref<10000xi32, #tpu.memory_space<hbm>>
    %dma_wait3A_18 = tpu.memref_slice %arg3[%mul3A_2] : memref<320000xi32, #tpu.memory_space<hbm>> -> memref<10000xi32, #tpu.memory_space<hbm>>
    tpu.wait_dma2 semaphore(%arg16 : memref<!tpu.dma_semaphore, #tpu.memory_space<semaphore_mem>>) src(%dma_wait3A_18 : memref<10000xi32, #tpu.memory_space<hbm>>) dst(%arg7 : memref<10000xi32, #tpu.memory_space<vmem>>)
    %dma_wait3A_19 = tpu.memref_slice %arg4[%mul3A_2] : memref<320000xi32, #tpu.memory_space<hbm>> -> memref<10000xi32, #tpu.memory_space<hbm>>
    %dma_wait3A_20 = tpu.memref_slice %arg4[%mul3A_2] : memref<320000xi32, #tpu.memory_space<hbm>> -> memref<10000xi32, #tpu.memory_space<hbm>>
    tpu.wait_dma2 semaphore(%arg16 : memref<!tpu.dma_semaphore, #tpu.memory_space<semaphore_mem>>) src(%dma_wait3A_20 : memref<10000xi32, #tpu.memory_space<hbm>>) dst(%arg8 : memref<10000xi32, #tpu.memory_space<vmem>>)
    %barrier3A = arith.constant 0 : index
    tpu.barrier barrier_id(%barrier3A)
    %dma_start3A_21 = arith.constant 0 : i32
    %dma_start3A_22 = tpu.memref_slice %arg7[%dma_start3A_21] : memref<10000xi32, #tpu.memory_space<vmem>> -> memref<400xi32, #tpu.memory_space<vmem>>
    %dma_start3A_23 = arith.constant 0 : i32
    %dma_start3A_24 = arith.constant 0 : i32
    %dma_start3A_25 = tpu.memref_slice %arg6[%dma_start3A_23, %dma_start3A_24] : memref<10000x32xi32, #tpu.memory_space<vmem_shared>> -> memref<10000x32xi32, #tpu.memory_space<vmem_shared>>
    tpu.enqueue_indirect_dma source(%dma_start3A_25 : memref<10000x32xi32, #tpu.memory_space<vmem_shared>>) target(%arg9 : memref<400x32xi32, #tpu.memory_space<vmem>>) offsets(%dma_start3A_22 : memref<400xi32, #tpu.memory_space<vmem>>) semaphore(%arg15 : memref<!tpu.dma_semaphore, #tpu.memory_space<semaphore_mem>>)
    %dma_start3A_26 = arith.constant 0 : i32
    %dma_start3A_27 = tpu.memref_slice %arg8[%dma_start3A_26] : memref<10000xi32, #tpu.memory_space<vmem>> -> memref<400xi32, #tpu.memory_space<vmem>>
    %dma_start3A_28 = arith.constant 0 : i32
    %dma_start3A_29 = arith.constant 0 : i32
    %dma_start3A_30 = tpu.memref_slice %arg6[%dma_start3A_28, %dma_start3A_29] : memref<10000x32xi32, #tpu.memory_space<vmem_shared>> -> memref<10000x32xi32, #tpu.memory_space<vmem_shared>>
    tpu.enqueue_indirect_dma source(%dma_start3A_30 : memref<10000x32xi32, #tpu.memory_space<vmem_shared>>) target(%arg10 : memref<400x32xi32, #tpu.memory_space<vmem>>) offsets(%dma_start3A_27 : memref<400xi32, #tpu.memory_space<vmem>>) semaphore(%arg15 : memref<!tpu.dma_semaphore, #tpu.memory_space<semaphore_mem>>)
    %scan3A = arith.constant 0 : i32
    %scan3A_31 = arith.constant 0 : i32
    %scan3A_32 = arith.constant 13 : i32
    %scan3A_33 = arith.addi %scan3A_31, %scan3A_32 : i32
    %scan3A_34 = arith.constant 1 : i32
    %scan3A_35 = scf.for %scan3A_45 = %scan3A_31 to %scan3A_33 step %scan3A_34 iter_args(%scan3A_46 = %scan3A) -> (i32)  : i32 {
      %mul3A_47 = arith.constant 2 : i32
      %mul3A_48 = arith.muli %mul3A_47, %scan3A_45 : i32
      %add3A_49 = arith.constant 0 : i32
      %add3A_50 = arith.addi %mul3A_48, %add3A_49 : i32
      %lt3A = arith.constant 25 : i32
      %lt3A_51 = arith.cmpi slt, %add3A_50, %lt3A : i32
      %convert_element_type3A = arith.extui %lt3A_51 : i1 to i32
      %cond3A = arith.constant 0 : i32
      %cond3A_52 = arith.cmpi ne, %convert_element_type3A, %cond3A : i32
      scf.if %cond3A_52 {
        %add3A_63 = arith.constant 1 : i32
        %add3A_64 = arith.addi %add3A_50, %add3A_63 : i32
        %lt3A_65 = arith.constant 25 : i32
        %lt3A_66 = arith.cmpi slt, %add3A_64, %lt3A_65 : i32
        %convert_element_type3A_67 = arith.extui %lt3A_66 : i1 to i32
        %cond3A_68 = arith.constant 0 : i32
        %cond3A_69 = arith.cmpi ne, %convert_element_type3A_67, %cond3A_68 : i32
        scf.if %cond3A_69 {
          %add3A_96 = arith.constant 1 : i32
          %add3A_97 = arith.addi %add3A_50, %add3A_96 : i32
          %mul3A_98 = arith.constant 400 : i32
          %mul3A_99 = arith.muli %add3A_97, %mul3A_98 : i32
          %dma_start3A_100 = tpu.memref_slice %arg7[%mul3A_99] : memref<10000xi32, #tpu.memory_space<vmem>> -> memref<400xi32, #tpu.memory_space<vmem>>
          %dma_start3A_101 = arith.constant 0 : i32
          %dma_start3A_102 = arith.constant 0 : i32
          %dma_start3A_103 = tpu.memref_slice %arg6[%dma_start3A_101, %dma_start3A_102] : memref<10000x32xi32, #tpu.memory_space<vmem_shared>> -> memref<10000x32xi32, #tpu.memory_space<vmem_shared>>
          tpu.enqueue_indirect_dma source(%dma_start3A_103 : memref<10000x32xi32, #tpu.memory_space<vmem_shared>>) target(%arg11 : memref<400x32xi32, #tpu.memory_space<vmem>>) offsets(%dma_start3A_100 : memref<400xi32, #tpu.memory_space<vmem>>) semaphore(%arg16 : memref<!tpu.dma_semaphore, #tpu.memory_space<semaphore_mem>>)
          %mul3A_104 = arith.constant 400 : i32
          %mul3A_105 = arith.muli %add3A_97, %mul3A_104 : i32
          %dma_start3A_106 = tpu.memref_slice %arg8[%mul3A_105] : memref<10000xi32, #tpu.memory_space<vmem>> -> memref<400xi32, #tpu.memory_space<vmem>>
          %dma_start3A_107 = arith.constant 0 : i32
          %dma_start3A_108 = arith.constant 0 : i32
          %dma_start3A_109 = tpu.memref_slice %arg6[%dma_start3A_107, %dma_start3A_108] : memref<10000x32xi32, #tpu.memory_space<vmem_shared>> -> memref<10000x32xi32, #tpu.memory_space<vmem_shared>>
          tpu.enqueue_indirect_dma source(%dma_start3A_109 : memref<10000x32xi32, #tpu.memory_space<vmem_shared>>) target(%arg12 : memref<400x32xi32, #tpu.memory_space<vmem>>) offsets(%dma_start3A_106 : memref<400xi32, #tpu.memory_space<vmem>>) semaphore(%arg16 : memref<!tpu.dma_semaphore, #tpu.memory_space<semaphore_mem>>)
        } else {
        }
        %dma_wait3A_70 = arith.constant 0 : i32
        %dma_wait3A_71 = tpu.memref_slice %arg7[%dma_wait3A_70] : memref<10000xi32, #tpu.memory_space<vmem>> -> memref<400xi32, #tpu.memory_space<vmem>>
        %dma_wait3A_72 = arith.constant 0 : i32
        %dma_wait3A_73 = arith.constant 0 : i32
        %dma_wait3A_74 = tpu.memref_slice %arg6[%dma_wait3A_72, %dma_wait3A_73] : memref<10000x32xi32, #tpu.memory_space<vmem_shared>> -> memref<10000x32xi32, #tpu.memory_space<vmem_shared>>
        tpu.wait_indirect_dma semaphore(%arg15 : memref<!tpu.dma_semaphore, #tpu.memory_space<semaphore_mem>>) src(%dma_wait3A_74 : memref<10000x32xi32, #tpu.memory_space<vmem_shared>>) dst(%arg9 : memref<400x32xi32, #tpu.memory_space<vmem>>)
        %dma_wait3A_75 = arith.constant 0 : i32
        %dma_wait3A_76 = tpu.memref_slice %arg8[%dma_wait3A_75] : memref<10000xi32, #tpu.memory_space<vmem>> -> memref<400xi32, #tpu.memory_space<vmem>>
        %dma_wait3A_77 = arith.constant 0 : i32
        %dma_wait3A_78 = arith.constant 0 : i32
        %dma_wait3A_79 = tpu.memref_slice %arg6[%dma_wait3A_77, %dma_wait3A_78] : memref<10000x32xi32, #tpu.memory_space<vmem_shared>> -> memref<10000x32xi32, #tpu.memory_space<vmem_shared>>
        tpu.wait_indirect_dma semaphore(%arg15 : memref<!tpu.dma_semaphore, #tpu.memory_space<semaphore_mem>>) src(%dma_wait3A_79 : memref<10000x32xi32, #tpu.memory_space<vmem_shared>>) dst(%arg10 : memref<400x32xi32, #tpu.memory_space<vmem>>)
        %ge3A = arith.constant 2 : i32
        %ge3A_80 = arith.cmpi sge, %add3A_50, %ge3A : i32
        %convert_element_type3A_81 = arith.extui %ge3A_80 : i1 to i32
        %cond3A_82 = arith.constant 0 : i32
        %cond3A_83 = arith.cmpi ne, %convert_element_type3A_81, %cond3A_82 : i32
        scf.if %cond3A_83 {
          %dma_wait3A_96 = arith.constant 0 : i32
          %dma_wait3A_97 = tpu.memref_slice %arg5[%dma_wait3A_96] : memref<320000xf32, #tpu.memory_space<hbm>> -> memref<400xf32, #tpu.memory_space<hbm>>
          %dma_wait3A_98 = arith.constant 0 : i32
          %dma_wait3A_99 = tpu.memref_slice %arg5[%dma_wait3A_98] : memref<320000xf32, #tpu.memory_space<hbm>> -> memref<400xf32, #tpu.memory_space<hbm>>
          tpu.wait_dma2 semaphore(%arg17 : memref<!tpu.dma_semaphore, #tpu.memory_space<semaphore_mem>>) src(%arg13 : memref<400xf32, #tpu.memory_space<vmem>>) dst(%dma_wait3A_99 : memref<400xf32, #tpu.memory_space<hbm>>)
        } else {
        }
        %scan3A_84 = arith.constant 0 : i32
        %scan3A_85 = arith.constant 0 : i32
        %scan3A_86 = arith.constant 25 : i32
        %scan3A_87 = arith.addi %scan3A_85, %scan3A_86 : i32
        %scan3A_88 = arith.constant 1 : i32
        %scan3A_89 = scf.for %scan3A_96 = %scan3A_85 to %scan3A_87 step %scan3A_88 iter_args(%scan3A_97 = %scan3A_84) -> (i32)  : i32 {
          %mul3A_98 = arith.constant 16 : i32
          %mul3A_99 = arith.muli %scan3A_96, %mul3A_98 : i32
          %add3A_100 = vector.broadcast %mul3A_99 : i32 to vector<16xi32>
          %add3A_101 = arith.addi %add3A_100, %iota3A : vector<16xi32>
          %broadcast_in_dim3A = arith.constant 0.000000e+00 : f32
          %broadcast_in_dim3A_102 = vector.broadcast %broadcast_in_dim3A : f32 to vector<16xf32>
          %scan3A_103 = arith.constant 0 : i32
          %scan3A_104 = arith.constant 2 : i32
          %scan3A_105 = arith.addi %scan3A_103, %scan3A_104 : i32
          %scan3A_106 = arith.constant 1 : i32
          %scan3A_107:4 = scf.for %scan3A_118 = %scan3A_103 to %scan3A_105 step %scan3A_106 iter_args(%scan3A_119 = %broadcast_in_dim3A_102, %scan3A_120 = %broadcast_in_dim3A_102, %scan3A_121 = %broadcast_in_dim3A_102, %scan3A_122 = %broadcast_in_dim3A_102) -> (vector<16xf32>, vector<16xf32>, vector<16xf32>, vector<16xf32>)  : i32 {
            %mul3A_123 = arith.constant 16 : i32
            %mul3A_124 = arith.muli %scan3A_118, %mul3A_123 : i32
            %add3A_125 = vector.broadcast %mul3A_124 : i32 to vector<16xi32>
            %add3A_126 = arith.addi %iota3A, %add3A_125 : vector<16xi32>
            %add3A_127 = arith.constant 0 : i32
            %add3A_128 = vector.broadcast %add3A_127 : i32 to vector<16xi32>
            %add3A_129 = arith.addi %add3A_126, %add3A_128 : vector<16xi32>
            %and3A = arith.constant 31 : i32
            %and3A_130 = vector.broadcast %and3A : i32 to vector<16xi32>
            %and3A_131 = arith.andi %add3A_129, %and3A_130 : vector<16xi32>
            %gather3A = tpu.vector_load_idx %arg9[%add3A_101, %and3A_131] : memref<400x32xi32, #tpu.memory_space<vmem>>[vector<16xi32>, vector<16xi32>], vector<16xi32>,
            %gather3A_132 = tpu.vector_load_idx %arg10[%add3A_101, %and3A_131] : memref<400x32xi32, #tpu.memory_space<vmem>>[vector<16xi32>, vector<16xi32>], vector<16xi32>,
            %bitcast3A = vector.bitcast %gather3A : vector<16xi32> to vector<32xbf16>
            %unpack3A = tpu.unpack_subelements %bitcast3A, 0 {pack_format = #tpu.pack_format<interleaved>} : vector<32xbf16> -> vector<16xf32>
            %unpack3A_133 = tpu.unpack_subelements %bitcast3A, 1 {pack_format = #tpu.pack_format<interleaved>} : vector<32xbf16> -> vector<16xf32>
            %bitcast3A_134 = vector.bitcast %gather3A_132 : vector<16xi32> to vector<32xbf16>
            %unpack3A_135 = tpu.unpack_subelements %bitcast3A_134, 0 {pack_format = #tpu.pack_format<interleaved>} : vector<32xbf16> -> vector<16xf32>
            %unpack3A_136 = tpu.unpack_subelements %bitcast3A_134, 1 {pack_format = #tpu.pack_format<interleaved>} : vector<32xbf16> -> vector<16xf32>
            %mul3A_137 = arith.mulf %unpack3A, %unpack3A_135 : vector<16xf32>
            %add3A_138 = arith.addf %scan3A_119, %mul3A_137 : vector<16xf32>
            %mul3A_139 = arith.mulf %unpack3A_133, %unpack3A_136 : vector<16xf32>
            %add3A_140 = arith.addf %scan3A_120, %mul3A_139 : vector<16xf32>
            %add3A_141 = vector.broadcast %mul3A_124 : i32 to vector<16xi32>
            %add3A_142 = arith.addi %iota3A, %add3A_141 : vector<16xi32>
            %add3A_143 = arith.constant 1 : i32
            %add3A_144 = vector.broadcast %add3A_143 : i32 to vector<16xi32>
            %add3A_145 = arith.addi %add3A_142, %add3A_144 : vector<16xi32>
            %and3A_146 = arith.constant 31 : i32
            %and3A_147 = vector.broadcast %and3A_146 : i32 to vector<16xi32>
            %and3A_148 = arith.andi %add3A_145, %and3A_147 : vector<16xi32>
            %gather3A_149 = tpu.vector_load_idx %arg9[%add3A_101, %and3A_148] : memref<400x32xi32, #tpu.memory_space<vmem>>[vector<16xi32>, vector<16xi32>], vector<16xi32>,
            %gather3A_150 = tpu.vector_load_idx %arg10[%add3A_101, %and3A_148] : memref<400x32xi32, #tpu.memory_space<vmem>>[vector<16xi32>, vector<16xi32>], vector<16xi32>,
            %bitcast3A_151 = vector.bitcast %gather3A_149 : vector<16xi32> to vector<32xbf16>
            %unpack3A_152 = tpu.unpack_subelements %bitcast3A_151, 0 {pack_format = #tpu.pack_format<interleaved>} : vector<32xbf16> -> vector<16xf32>
            %unpack3A_153 = tpu.unpack_subelements %bitcast3A_151, 1 {pack_format = #tpu.pack_format<interleaved>} : vector<32xbf16> -> vector<16xf32>
            %bitcast3A_154 = vector.bitcast %gather3A_150 : vector<16xi32> to vector<32xbf16>
            %unpack3A_155 = tpu.unpack_subelements %bitcast3A_154, 0 {pack_format = #tpu.pack_format<interleaved>} : vector<32xbf16> -> vector<16xf32>
            %unpack3A_156 = tpu.unpack_subelements %bitcast3A_154, 1 {pack_format = #tpu.pack_format<interleaved>} : vector<32xbf16> -> vector<16xf32>
            %mul3A_157 = arith.mulf %unpack3A_152, %unpack3A_155 : vector<16xf32>
            %add3A_158 = arith.addf %scan3A_121, %mul3A_157 : vector<16xf32>
            %mul3A_159 = arith.mulf %unpack3A_153, %unpack3A_156 : vector<16xf32>
            %add3A_160 = arith.addf %scan3A_122, %mul3A_159 : vector<16xf32>
            %add3A_161 = vector.broadcast %mul3A_124 : i32 to vector<16xi32>
            %add3A_162 = arith.addi %iota3A, %add3A_161 : vector<16xi32>
            %add3A_163 = arith.constant 2 : i32
            %add3A_164 = vector.broadcast %add3A_163 : i32 to vector<16xi32>
            %add3A_165 = arith.addi %add3A_162, %add3A_164 : vector<16xi32>
            %and3A_166 = arith.constant 31 : i32
            %and3A_167 = vector.broadcast %and3A_166 : i32 to vector<16xi32>
            %and3A_168 = arith.andi %add3A_165, %and3A_167 : vector<16xi32>
            %gather3A_169 = tpu.vector_load_idx %arg9[%add3A_101, %and3A_168] : memref<400x32xi32, #tpu.memory_space<vmem>>[vector<16xi32>, vector<16xi32>], vector<16xi32>,
            %gather3A_170 = tpu.vector_load_idx %arg10[%add3A_101, %and3A_168] : memref<400x32xi32, #tpu.memory_space<vmem>>[vector<16xi32>, vector<16xi32>], vector<16xi32>,
            %bitcast3A_171 = vector.bitcast %gather3A_169 : vector<16xi32> to vector<32xbf16>
            %unpack3A_172 = tpu.unpack_subelements %bitcast3A_171, 0 {pack_format = #tpu.pack_format<interleaved>} : vector<32xbf16> -> vector<16xf32>
            %unpack3A_173 = tpu.unpack_subelements %bitcast3A_171, 1 {pack_format = #tpu.pack_format<interleaved>} : vector<32xbf16> -> vector<16xf32>
            %bitcast3A_174 = vector.bitcast %gather3A_170 : vector<16xi32> to vector<32xbf16>
            %unpack3A_175 = tpu.unpack_subelements %bitcast3A_174, 0 {pack_format = #tpu.pack_format<interleaved>} : vector<32xbf16> -> vector<16xf32>
            %unpack3A_176 = tpu.unpack_subelements %bitcast3A_174, 1 {pack_format = #tpu.pack_format<interleaved>} : vector<32xbf16> -> vector<16xf32>
            %mul3A_177 = arith.mulf %unpack3A_172, %unpack3A_175 : vector<16xf32>
            %add3A_178 = arith.addf %add3A_138, %mul3A_177 : vector<16xf32>
            %mul3A_179 = arith.mulf %unpack3A_173, %unpack3A_176 : vector<16xf32>
            %add3A_180 = arith.addf %add3A_140, %mul3A_179 : vector<16xf32>
            %add3A_181 = vector.broadcast %mul3A_124 : i32 to vector<16xi32>
            %add3A_182 = arith.addi %iota3A, %add3A_181 : vector<16xi32>
            %add3A_183 = arith.constant 3 : i32
            %add3A_184 = vector.broadcast %add3A_183 : i32 to vector<16xi32>
            %add3A_185 = arith.addi %add3A_182, %add3A_184 : vector<16xi32>
            %and3A_186 = arith.constant 31 : i32
            %and3A_187 = vector.broadcast %and3A_186 : i32 to vector<16xi32>
            %and3A_188 = arith.andi %add3A_185, %and3A_187 : vector<16xi32>
            %gather3A_189 = tpu.vector_load_idx %arg9[%add3A_101, %and3A_188] : memref<400x32xi32, #tpu.memory_space<vmem>>[vector<16xi32>, vector<16xi32>], vector<16xi32>,
            %gather3A_190 = tpu.vector_load_idx %arg10[%add3A_101, %and3A_188] : memref<400x32xi32, #tpu.memory_space<vmem>>[vector<16xi32>, vector<16xi32>], vector<16xi32>,
            %bitcast3A_191 = vector.bitcast %gather3A_189 : vector<16xi32> to vector<32xbf16>
            %unpack3A_192 = tpu.unpack_subelements %bitcast3A_191, 0 {pack_format = #tpu.pack_format<interleaved>} : vector<32xbf16> -> vector<16xf32>
            %unpack3A_193 = tpu.unpack_subelements %bitcast3A_191, 1 {pack_format = #tpu.pack_format<interleaved>} : vector<32xbf16> -> vector<16xf32>
            %bitcast3A_194 = vector.bitcast %gather3A_190 : vector<16xi32> to vector<32xbf16>
            %unpack3A_195 = tpu.unpack_subelements %bitcast3A_194, 0 {pack_format = #tpu.pack_format<interleaved>} : vector<32xbf16> -> vector<16xf32>
            %unpack3A_196 = tpu.unpack_subelements %bitcast3A_194, 1 {pack_format = #tpu.pack_format<interleaved>} : vector<32xbf16> -> vector<16xf32>
            %mul3A_197 = arith.mulf %unpack3A_192, %unpack3A_195 : vector<16xf32>
            %add3A_198 = arith.addf %add3A_158, %mul3A_197 : vector<16xf32>
            %mul3A_199 = arith.mulf %unpack3A_193, %unpack3A_196 : vector<16xf32>
            %add3A_200 = arith.addf %add3A_160, %mul3A_199 : vector<16xf32>
            %add3A_201 = vector.broadcast %mul3A_124 : i32 to vector<16xi32>
            %add3A_202 = arith.addi %iota3A, %add3A_201 : vector<16xi32>
            %add3A_203 = arith.constant 4 : i32
            %add3A_204 = vector.broadcast %add3A_203 : i32 to vector<16xi32>
            %add3A_205 = arith.addi %add3A_202, %add3A_204 : vector<16xi32>
            %and3A_206 = arith.constant 31 : i32
            %and3A_207 = vector.broadcast %and3A_206 : i32 to vector<16xi32>
            %and3A_208 = arith.andi %add3A_205, %and3A_207 : vector<16xi32>
            %gather3A_209 = tpu.vector_load_idx %arg9[%add3A_101, %and3A_208] : memref<400x32xi32, #tpu.memory_space<vmem>>[vector<16xi32>, vector<16xi32>], vector<16xi32>,
            %gather3A_210 = tpu.vector_load_idx %arg10[%add3A_101, %and3A_208] : memref<400x32xi32, #tpu.memory_space<vmem>>[vector<16xi32>, vector<16xi32>], vector<16xi32>,
            %bitcast3A_211 = vector.bitcast %gather3A_209 : vector<16xi32> to vector<32xbf16>
            %unpack3A_212 = tpu.unpack_subelements %bitcast3A_211, 0 {pack_format = #tpu.pack_format<interleaved>} : vector<32xbf16> -> vector<16xf32>
            %unpack3A_213 = tpu.unpack_subelements %bitcast3A_211, 1 {pack_format = #tpu.pack_format<interleaved>} : vector<32xbf16> -> vector<16xf32>
            %bitcast3A_214 = vector.bitcast %gather3A_210 : vector<16xi32> to vector<32xbf16>
            %unpack3A_215 = tpu.unpack_subelements %bitcast3A_214, 0 {pack_format = #tpu.pack_format<interleaved>} : vector<32xbf16> -> vector<16xf32>
            %unpack3A_216 = tpu.unpack_subelements %bitcast3A_214, 1 {pack_format = #tpu.pack_format<interleaved>} : vector<32xbf16> -> vector<16xf32>
            %mul3A_217 = arith.mulf %unpack3A_212, %unpack3A_215 : vector<16xf32>
            %add3A_218 = arith.addf %add3A_178, %mul3A_217 : vector<16xf32>
            %mul3A_219 = arith.mulf %unpack3A_213, %unpack3A_216 : vector<16xf32>
            %add3A_220 = arith.addf %add3A_180, %mul3A_219 : vector<16xf32>
            %add3A_221 = vector.broadcast %mul3A_124 : i32 to vector<16xi32>
            %add3A_222 = arith.addi %iota3A, %add3A_221 : vector<16xi32>
            %add3A_223 = arith.constant 5 : i32
            %add3A_224 = vector.broadcast %add3A_223 : i32 to vector<16xi32>
            %add3A_225 = arith.addi %add3A_222, %add3A_224 : vector<16xi32>
            %and3A_226 = arith.constant 31 : i32
            %and3A_227 = vector.broadcast %and3A_226 : i32 to vector<16xi32>
            %and3A_228 = arith.andi %add3A_225, %and3A_227 : vector<16xi32>
            %gather3A_229 = tpu.vector_load_idx %arg9[%add3A_101, %and3A_228] : memref<400x32xi32, #tpu.memory_space<vmem>>[vector<16xi32>, vector<16xi32>], vector<16xi32>,
            %gather3A_230 = tpu.vector_load_idx %arg10[%add3A_101, %and3A_228] : memref<400x32xi32, #tpu.memory_space<vmem>>[vector<16xi32>, vector<16xi32>], vector<16xi32>,
            %bitcast3A_231 = vector.bitcast %gather3A_229 : vector<16xi32> to vector<32xbf16>
            %unpack3A_232 = tpu.unpack_subelements %bitcast3A_231, 0 {pack_format = #tpu.pack_format<interleaved>} : vector<32xbf16> -> vector<16xf32>
            %unpack3A_233 = tpu.unpack_subelements %bitcast3A_231, 1 {pack_format = #tpu.pack_format<interleaved>} : vector<32xbf16> -> vector<16xf32>
            %bitcast3A_234 = vector.bitcast %gather3A_230 : vector<16xi32> to vector<32xbf16>
            %unpack3A_235 = tpu.unpack_subelements %bitcast3A_234, 0 {pack_format = #tpu.pack_format<interleaved>} : vector<32xbf16> -> vector<16xf32>
            %unpack3A_236 = tpu.unpack_subelements %bitcast3A_234, 1 {pack_format = #tpu.pack_format<interleaved>} : vector<32xbf16> -> vector<16xf32>
            %mul3A_237 = arith.mulf %unpack3A_232, %unpack3A_235 : vector<16xf32>
            %add3A_238 = arith.addf %add3A_198, %mul3A_237 : vector<16xf32>
            %mul3A_239 = arith.mulf %unpack3A_233, %unpack3A_236 : vector<16xf32>
            %add3A_240 = arith.addf %add3A_200, %mul3A_239 : vector<16xf32>
            %add3A_241 = vector.broadcast %mul3A_124 : i32 to vector<16xi32>
            %add3A_242 = arith.addi %iota3A, %add3A_241 : vector<16xi32>
            %add3A_243 = arith.constant 6 : i32
            %add3A_244 = vector.broadcast %add3A_243 : i32 to vector<16xi32>
            %add3A_245 = arith.addi %add3A_242, %add3A_244 : vector<16xi32>
            %and3A_246 = arith.constant 31 : i32
            %and3A_247 = vector.broadcast %and3A_246 : i32 to vector<16xi32>
            %and3A_248 = arith.andi %add3A_245, %and3A_247 : vector<16xi32>
            %gather3A_249 = tpu.vector_load_idx %arg9[%add3A_101, %and3A_248] : memref<400x32xi32, #tpu.memory_space<vmem>>[vector<16xi32>, vector<16xi32>], vector<16xi32>,
            %gather3A_250 = tpu.vector_load_idx %arg10[%add3A_101, %and3A_248] : memref<400x32xi32, #tpu.memory_space<vmem>>[vector<16xi32>, vector<16xi32>], vector<16xi32>,
            %bitcast3A_251 = vector.bitcast %gather3A_249 : vector<16xi32> to vector<32xbf16>
            %unpack3A_252 = tpu.unpack_subelements %bitcast3A_251, 0 {pack_format = #tpu.pack_format<interleaved>} : vector<32xbf16> -> vector<16xf32>
            %unpack3A_253 = tpu.unpack_subelements %bitcast3A_251, 1 {pack_format = #tpu.pack_format<interleaved>} : vector<32xbf16> -> vector<16xf32>
            %bitcast3A_254 = vector.bitcast %gather3A_250 : vector<16xi32> to vector<32xbf16>
            %unpack3A_255 = tpu.unpack_subelements %bitcast3A_254, 0 {pack_format = #tpu.pack_format<interleaved>} : vector<32xbf16> -> vector<16xf32>
            %unpack3A_256 = tpu.unpack_subelements %bitcast3A_254, 1 {pack_format = #tpu.pack_format<interleaved>} : vector<32xbf16> -> vector<16xf32>
            %mul3A_257 = arith.mulf %unpack3A_252, %unpack3A_255 : vector<16xf32>
            %add3A_258 = arith.addf %add3A_218, %mul3A_257 : vector<16xf32>
            %mul3A_259 = arith.mulf %unpack3A_253, %unpack3A_256 : vector<16xf32>
            %add3A_260 = arith.addf %add3A_220, %mul3A_259 : vector<16xf32>
            %add3A_261 = vector.broadcast %mul3A_124 : i32 to vector<16xi32>
            %add3A_262 = arith.addi %iota3A, %add3A_261 : vector<16xi32>
            %add3A_263 = arith.constant 7 : i32
            %add3A_264 = vector.broadcast %add3A_263 : i32 to vector<16xi32>
            %add3A_265 = arith.addi %add3A_262, %add3A_264 : vector<16xi32>
            %and3A_266 = arith.constant 31 : i32
            %and3A_267 = vector.broadcast %and3A_266 : i32 to vector<16xi32>
            %and3A_268 = arith.andi %add3A_265, %and3A_267 : vector<16xi32>
            %gather3A_269 = tpu.vector_load_idx %arg9[%add3A_101, %and3A_268] : memref<400x32xi32, #tpu.memory_space<vmem>>[vector<16xi32>, vector<16xi32>], vector<16xi32>,
            %gather3A_270 = tpu.vector_load_idx %arg10[%add3A_101, %and3A_268] : memref<400x32xi32, #tpu.memory_space<vmem>>[vector<16xi32>, vector<16xi32>], vector<16xi32>,
            %bitcast3A_271 = vector.bitcast %gather3A_269 : vector<16xi32> to vector<32xbf16>
            %unpack3A_272 = tpu.unpack_subelements %bitcast3A_271, 0 {pack_format = #tpu.pack_format<interleaved>} : vector<32xbf16> -> vector<16xf32>
            %unpack3A_273 = tpu.unpack_subelements %bitcast3A_271, 1 {pack_format = #tpu.pack_format<interleaved>} : vector<32xbf16> -> vector<16xf32>
            %bitcast3A_274 = vector.bitcast %gather3A_270 : vector<16xi32> to vector<32xbf16>
            %unpack3A_275 = tpu.unpack_subelements %bitcast3A_274, 0 {pack_format = #tpu.pack_format<interleaved>} : vector<32xbf16> -> vector<16xf32>
            %unpack3A_276 = tpu.unpack_subelements %bitcast3A_274, 1 {pack_format = #tpu.pack_format<interleaved>} : vector<32xbf16> -> vector<16xf32>
            %mul3A_277 = arith.mulf %unpack3A_272, %unpack3A_275 : vector<16xf32>
            %add3A_278 = arith.addf %add3A_238, %mul3A_277 : vector<16xf32>
            %mul3A_279 = arith.mulf %unpack3A_273, %unpack3A_276 : vector<16xf32>
            %add3A_280 = arith.addf %add3A_240, %mul3A_279 : vector<16xf32>
            %add3A_281 = vector.broadcast %mul3A_124 : i32 to vector<16xi32>
            %add3A_282 = arith.addi %iota3A, %add3A_281 : vector<16xi32>
            %add3A_283 = arith.constant 8 : i32
            %add3A_284 = vector.broadcast %add3A_283 : i32 to vector<16xi32>
            %add3A_285 = arith.addi %add3A_282, %add3A_284 : vector<16xi32>
            %and3A_286 = arith.constant 31 : i32
            %and3A_287 = vector.broadcast %and3A_286 : i32 to vector<16xi32>
            %and3A_288 = arith.andi %add3A_285, %and3A_287 : vector<16xi32>
            %gather3A_289 = tpu.vector_load_idx %arg9[%add3A_101, %and3A_288] : memref<400x32xi32, #tpu.memory_space<vmem>>[vector<16xi32>, vector<16xi32>], vector<16xi32>,
            %gather3A_290 = tpu.vector_load_idx %arg10[%add3A_101, %and3A_288] : memref<400x32xi32, #tpu.memory_space<vmem>>[vector<16xi32>, vector<16xi32>], vector<16xi32>,
            %bitcast3A_291 = vector.bitcast %gather3A_289 : vector<16xi32> to vector<32xbf16>
            %unpack3A_292 = tpu.unpack_subelements %bitcast3A_291, 0 {pack_format = #tpu.pack_format<interleaved>} : vector<32xbf16> -> vector<16xf32>
            %unpack3A_293 = tpu.unpack_subelements %bitcast3A_291, 1 {pack_format = #tpu.pack_format<interleaved>} : vector<32xbf16> -> vector<16xf32>
            %bitcast3A_294 = vector.bitcast %gather3A_290 : vector<16xi32> to vector<32xbf16>
            %unpack3A_295 = tpu.unpack_subelements %bitcast3A_294, 0 {pack_format = #tpu.pack_format<interleaved>} : vector<32xbf16> -> vector<16xf32>
            %unpack3A_296 = tpu.unpack_subelements %bitcast3A_294, 1 {pack_format = #tpu.pack_format<interleaved>} : vector<32xbf16> -> vector<16xf32>
            %mul3A_297 = arith.mulf %unpack3A_292, %unpack3A_295 : vector<16xf32>
            %add3A_298 = arith.addf %add3A_258, %mul3A_297 : vector<16xf32>
            %mul3A_299 = arith.mulf %unpack3A_293, %unpack3A_296 : vector<16xf32>
            %add3A_300 = arith.addf %add3A_260, %mul3A_299 : vector<16xf32>
            %add3A_301 = vector.broadcast %mul3A_124 : i32 to vector<16xi32>
            %add3A_302 = arith.addi %iota3A, %add3A_301 : vector<16xi32>
            %add3A_303 = arith.constant 9 : i32
            %add3A_304 = vector.broadcast %add3A_303 : i32 to vector<16xi32>
            %add3A_305 = arith.addi %add3A_302, %add3A_304 : vector<16xi32>
            %and3A_306 = arith.constant 31 : i32
            %and3A_307 = vector.broadcast %and3A_306 : i32 to vector<16xi32>
            %and3A_308 = arith.andi %add3A_305, %and3A_307 : vector<16xi32>
            %gather3A_309 = tpu.vector_load_idx %arg9[%add3A_101, %and3A_308] : memref<400x32xi32, #tpu.memory_space<vmem>>[vector<16xi32>, vector<16xi32>], vector<16xi32>,
            %gather3A_310 = tpu.vector_load_idx %arg10[%add3A_101, %and3A_308] : memref<400x32xi32, #tpu.memory_space<vmem>>[vector<16xi32>, vector<16xi32>], vector<16xi32>,
            %bitcast3A_311 = vector.bitcast %gather3A_309 : vector<16xi32> to vector<32xbf16>
            %unpack3A_312 = tpu.unpack_subelements %bitcast3A_311, 0 {pack_format = #tpu.pack_format<interleaved>} : vector<32xbf16> -> vector<16xf32>
            %unpack3A_313 = tpu.unpack_subelements %bitcast3A_311, 1 {pack_format = #tpu.pack_format<interleaved>} : vector<32xbf16> -> vector<16xf32>
            %bitcast3A_314 = vector.bitcast %gather3A_310 : vector<16xi32> to vector<32xbf16>
            %unpack3A_315 = tpu.unpack_subelements %bitcast3A_314, 0 {pack_format = #tpu.pack_format<interleaved>} : vector<32xbf16> -> vector<16xf32>
            %unpack3A_316 = tpu.unpack_subelements %bitcast3A_314, 1 {pack_format = #tpu.pack_format<interleaved>} : vector<32xbf16> -> vector<16xf32>
            %mul3A_317 = arith.mulf %unpack3A_312, %unpack3A_315 : vector<16xf32>
            %add3A_318 = arith.addf %add3A_278, %mul3A_317 : vector<16xf32>
            %mul3A_319 = arith.mulf %unpack3A_313, %unpack3A_316 : vector<16xf32>
            %add3A_320 = arith.addf %add3A_280, %mul3A_319 : vector<16xf32>
            %add3A_321 = vector.broadcast %mul3A_124 : i32 to vector<16xi32>
            %add3A_322 = arith.addi %iota3A, %add3A_321 : vector<16xi32>
            %add3A_323 = arith.constant 10 : i32
            %add3A_324 = vector.broadcast %add3A_323 : i32 to vector<16xi32>
            %add3A_325 = arith.addi %add3A_322, %add3A_324 : vector<16xi32>
            %and3A_326 = arith.constant 31 : i32
            %and3A_327 = vector.broadcast %and3A_326 : i32 to vector<16xi32>
            %and3A_328 = arith.andi %add3A_325, %and3A_327 : vector<16xi32>
            %gather3A_329 = tpu.vector_load_idx %arg9[%add3A_101, %and3A_328] : memref<400x32xi32, #tpu.memory_space<vmem>>[vector<16xi32>, vector<16xi32>], vector<16xi32>,
            %gather3A_330 = tpu.vector_load_idx %arg10[%add3A_101, %and3A_328] : memref<400x32xi32, #tpu.memory_space<vmem>>[vector<16xi32>, vector<16xi32>], vector<16xi32>,
            %bitcast3A_331 = vector.bitcast %gather3A_329 : vector<16xi32> to vector<32xbf16>
            %unpack3A_332 = tpu.unpack_subelements %bitcast3A_331, 0 {pack_format = #tpu.pack_format<interleaved>} : vector<32xbf16> -> vector<16xf32>
            %unpack3A_333 = tpu.unpack_subelements %bitcast3A_331, 1 {pack_format = #tpu.pack_format<interleaved>} : vector<32xbf16> -> vector<16xf32>
            %bitcast3A_334 = vector.bitcast %gather3A_330 : vector<16xi32> to vector<32xbf16>
            %unpack3A_335 = tpu.unpack_subelements %bitcast3A_334, 0 {pack_format = #tpu.pack_format<interleaved>} : vector<32xbf16> -> vector<16xf32>
            %unpack3A_336 = tpu.unpack_subelements %bitcast3A_334, 1 {pack_format = #tpu.pack_format<interleaved>} : vector<32xbf16> -> vector<16xf32>
            %mul3A_337 = arith.mulf %unpack3A_332, %unpack3A_335 : vector<16xf32>
            %add3A_338 = arith.addf %add3A_298, %mul3A_337 : vector<16xf32>
            %mul3A_339 = arith.mulf %unpack3A_333, %unpack3A_336 : vector<16xf32>
            %add3A_340 = arith.addf %add3A_300, %mul3A_339 : vector<16xf32>
            %add3A_341 = vector.broadcast %mul3A_124 : i32 to vector<16xi32>
            %add3A_342 = arith.addi %iota3A, %add3A_341 : vector<16xi32>
            %add3A_343 = arith.constant 11 : i32
            %add3A_344 = vector.broadcast %add3A_343 : i32 to vector<16xi32>
            %add3A_345 = arith.addi %add3A_342, %add3A_344 : vector<16xi32>
            %and3A_346 = arith.constant 31 : i32
            %and3A_347 = vector.broadcast %and3A_346 : i32 to vector<16xi32>
            %and3A_348 = arith.andi %add3A_345, %and3A_347 : vector<16xi32>
            %gather3A_349 = tpu.vector_load_idx %arg9[%add3A_101, %and3A_348] : memref<400x32xi32, #tpu.memory_space<vmem>>[vector<16xi32>, vector<16xi32>], vector<16xi32>,
            %gather3A_350 = tpu.vector_load_idx %arg10[%add3A_101, %and3A_348] : memref<400x32xi32, #tpu.memory_space<vmem>>[vector<16xi32>, vector<16xi32>], vector<16xi32>,
            %bitcast3A_351 = vector.bitcast %gather3A_349 : vector<16xi32> to vector<32xbf16>
            %unpack3A_352 = tpu.unpack_subelements %bitcast3A_351, 0 {pack_format = #tpu.pack_format<interleaved>} : vector<32xbf16> -> vector<16xf32>
            %unpack3A_353 = tpu.unpack_subelements %bitcast3A_351, 1 {pack_format = #tpu.pack_format<interleaved>} : vector<32xbf16> -> vector<16xf32>
            %bitcast3A_354 = vector.bitcast %gather3A_350 : vector<16xi32> to vector<32xbf16>
            %unpack3A_355 = tpu.unpack_subelements %bitcast3A_354, 0 {pack_format = #tpu.pack_format<interleaved>} : vector<32xbf16> -> vector<16xf32>
            %unpack3A_356 = tpu.unpack_subelements %bitcast3A_354, 1 {pack_format = #tpu.pack_format<interleaved>} : vector<32xbf16> -> vector<16xf32>
            %mul3A_357 = arith.mulf %unpack3A_352, %unpack3A_355 : vector<16xf32>
            %add3A_358 = arith.addf %add3A_318, %mul3A_357 : vector<16xf32>
            %mul3A_359 = arith.mulf %unpack3A_353, %unpack3A_356 : vector<16xf32>
            %add3A_360 = arith.addf %add3A_320, %mul3A_359 : vector<16xf32>
            %add3A_361 = vector.broadcast %mul3A_124 : i32 to vector<16xi32>
            %add3A_362 = arith.addi %iota3A, %add3A_361 : vector<16xi32>
            %add3A_363 = arith.constant 12 : i32
            %add3A_364 = vector.broadcast %add3A_363 : i32 to vector<16xi32>
            %add3A_365 = arith.addi %add3A_362, %add3A_364 : vector<16xi32>
            %and3A_366 = arith.constant 31 : i32
            %and3A_367 = vector.broadcast %and3A_366 : i32 to vector<16xi32>
            %and3A_368 = arith.andi %add3A_365, %and3A_367 : vector<16xi32>
            %gather3A_369 = tpu.vector_load_idx %arg9[%add3A_101, %and3A_368] : memref<400x32xi32, #tpu.memory_space<vmem>>[vector<16xi32>, vector<16xi32>], vector<16xi32>,
            %gather3A_370 = tpu.vector_load_idx %arg10[%add3A_101, %and3A_368] : memref<400x32xi32, #tpu.memory_space<vmem>>[vector<16xi32>, vector<16xi32>], vector<16xi32>,
            %bitcast3A_371 = vector.bitcast %gather3A_369 : vector<16xi32> to vector<32xbf16>
            %unpack3A_372 = tpu.unpack_subelements %bitcast3A_371, 0 {pack_format = #tpu.pack_format<interleaved>} : vector<32xbf16> -> vector<16xf32>
            %unpack3A_373 = tpu.unpack_subelements %bitcast3A_371, 1 {pack_format = #tpu.pack_format<interleaved>} : vector<32xbf16> -> vector<16xf32>
            %bitcast3A_374 = vector.bitcast %gather3A_370 : vector<16xi32> to vector<32xbf16>
            %unpack3A_375 = tpu.unpack_subelements %bitcast3A_374, 0 {pack_format = #tpu.pack_format<interleaved>} : vector<32xbf16> -> vector<16xf32>
            %unpack3A_376 = tpu.unpack_subelements %bitcast3A_374, 1 {pack_format = #tpu.pack_format<interleaved>} : vector<32xbf16> -> vector<16xf32>
            %mul3A_377 = arith.mulf %unpack3A_372, %unpack3A_375 : vector<16xf32>
            %add3A_378 = arith.addf %add3A_338, %mul3A_377 : vector<16xf32>
            %mul3A_379 = arith.mulf %unpack3A_373, %unpack3A_376 : vector<16xf32>
            %add3A_380 = arith.addf %add3A_340, %mul3A_379 : vector<16xf32>
            %add3A_381 = vector.broadcast %mul3A_124 : i32 to vector<16xi32>
            %add3A_382 = arith.addi %iota3A, %add3A_381 : vector<16xi32>
            %add3A_383 = arith.constant 13 : i32
            %add3A_384 = vector.broadcast %add3A_383 : i32 to vector<16xi32>
            %add3A_385 = arith.addi %add3A_382, %add3A_384 : vector<16xi32>
            %and3A_386 = arith.constant 31 : i32
            %and3A_387 = vector.broadcast %and3A_386 : i32 to vector<16xi32>
            %and3A_388 = arith.andi %add3A_385, %and3A_387 : vector<16xi32>
            %gather3A_389 = tpu.vector_load_idx %arg9[%add3A_101, %and3A_388] : memref<400x32xi32, #tpu.memory_space<vmem>>[vector<16xi32>, vector<16xi32>], vector<16xi32>,
            %gather3A_390 = tpu.vector_load_idx %arg10[%add3A_101, %and3A_388] : memref<400x32xi32, #tpu.memory_space<vmem>>[vector<16xi32>, vector<16xi32>], vector<16xi32>,
            %bitcast3A_391 = vector.bitcast %gather3A_389 : vector<16xi32> to vector<32xbf16>
            %unpack3A_392 = tpu.unpack_subelements %bitcast3A_391, 0 {pack_format = #tpu.pack_format<interleaved>} : vector<32xbf16> -> vector<16xf32>
            %unpack3A_393 = tpu.unpack_subelements %bitcast3A_391, 1 {pack_format = #tpu.pack_format<interleaved>} : vector<32xbf16> -> vector<16xf32>
            %bitcast3A_394 = vector.bitcast %gather3A_390 : vector<16xi32> to vector<32xbf16>
            %unpack3A_395 = tpu.unpack_subelements %bitcast3A_394, 0 {pack_format = #tpu.pack_format<interleaved>} : vector<32xbf16> -> vector<16xf32>
            %unpack3A_396 = tpu.unpack_subelements %bitcast3A_394, 1 {pack_format = #tpu.pack_format<interleaved>} : vector<32xbf16> -> vector<16xf32>
            %mul3A_397 = arith.mulf %unpack3A_392, %unpack3A_395 : vector<16xf32>
            %add3A_398 = arith.addf %add3A_358, %mul3A_397 : vector<16xf32>
            %mul3A_399 = arith.mulf %unpack3A_393, %unpack3A_396 : vector<16xf32>
            %add3A_400 = arith.addf %add3A_360, %mul3A_399 : vector<16xf32>
            %add3A_401 = vector.broadcast %mul3A_124 : i32 to vector<16xi32>
            %add3A_402 = arith.addi %iota3A, %add3A_401 : vector<16xi32>
            %add3A_403 = arith.constant 14 : i32
            %add3A_404 = vector.broadcast %add3A_403 : i32 to vector<16xi32>
            %add3A_405 = arith.addi %add3A_402, %add3A_404 : vector<16xi32>
            %and3A_406 = arith.constant 31 : i32
            %and3A_407 = vector.broadcast %and3A_406 : i32 to vector<16xi32>
            %and3A_408 = arith.andi %add3A_405, %and3A_407 : vector<16xi32>
            %gather3A_409 = tpu.vector_load_idx %arg9[%add3A_101, %and3A_408] : memref<400x32xi32, #tpu.memory_space<vmem>>[vector<16xi32>, vector<16xi32>], vector<16xi32>,
            %gather3A_410 = tpu.vector_load_idx %arg10[%add3A_101, %and3A_408] : memref<400x32xi32, #tpu.memory_space<vmem>>[vector<16xi32>, vector<16xi32>], vector<16xi32>,
            %bitcast3A_411 = vector.bitcast %gather3A_409 : vector<16xi32> to vector<32xbf16>
            %unpack3A_412 = tpu.unpack_subelements %bitcast3A_411, 0 {pack_format = #tpu.pack_format<interleaved>} : vector<32xbf16> -> vector<16xf32>
            %unpack3A_413 = tpu.unpack_subelements %bitcast3A_411, 1 {pack_format = #tpu.pack_format<interleaved>} : vector<32xbf16> -> vector<16xf32>
            %bitcast3A_414 = vector.bitcast %gather3A_410 : vector<16xi32> to vector<32xbf16>
            %unpack3A_415 = tpu.unpack_subelements %bitcast3A_414, 0 {pack_format = #tpu.pack_format<interleaved>} : vector<32xbf16> -> vector<16xf32>
            %unpack3A_416 = tpu.unpack_subelements %bitcast3A_414, 1 {pack_format = #tpu.pack_format<interleaved>} : vector<32xbf16> -> vector<16xf32>
            %mul3A_417 = arith.mulf %unpack3A_412, %unpack3A_415 : vector<16xf32>
            %add3A_418 = arith.addf %add3A_378, %mul3A_417 : vector<16xf32>
            %mul3A_419 = arith.mulf %unpack3A_413, %unpack3A_416 : vector<16xf32>
            %add3A_420 = arith.addf %add3A_380, %mul3A_419 : vector<16xf32>
            %add3A_421 = vector.broadcast %mul3A_124 : i32 to vector<16xi32>
            %add3A_422 = arith.addi %iota3A, %add3A_421 : vector<16xi32>
            %add3A_423 = arith.constant 15 : i32
            %add3A_424 = vector.broadcast %add3A_423 : i32 to vector<16xi32>
            %add3A_425 = arith.addi %add3A_422, %add3A_424 : vector<16xi32>
            %and3A_426 = arith.constant 31 : i32
            %and3A_427 = vector.broadcast %and3A_426 : i32 to vector<16xi32>
            %and3A_428 = arith.andi %add3A_425, %and3A_427 : vector<16xi32>
            %gather3A_429 = tpu.vector_load_idx %arg9[%add3A_101, %and3A_428] : memref<400x32xi32, #tpu.memory_space<vmem>>[vector<16xi32>, vector<16xi32>], vector<16xi32>,
            %gather3A_430 = tpu.vector_load_idx %arg10[%add3A_101, %and3A_428] : memref<400x32xi32, #tpu.memory_space<vmem>>[vector<16xi32>, vector<16xi32>], vector<16xi32>,
            %bitcast3A_431 = vector.bitcast %gather3A_429 : vector<16xi32> to vector<32xbf16>
            %unpack3A_432 = tpu.unpack_subelements %bitcast3A_431, 0 {pack_format = #tpu.pack_format<interleaved>} : vector<32xbf16> -> vector<16xf32>
            %unpack3A_433 = tpu.unpack_subelements %bitcast3A_431, 1 {pack_format = #tpu.pack_format<interleaved>} : vector<32xbf16> -> vector<16xf32>
            %bitcast3A_434 = vector.bitcast %gather3A_430 : vector<16xi32> to vector<32xbf16>
            %unpack3A_435 = tpu.unpack_subelements %bitcast3A_434, 0 {pack_format = #tpu.pack_format<interleaved>} : vector<32xbf16> -> vector<16xf32>
            %unpack3A_436 = tpu.unpack_subelements %bitcast3A_434, 1 {pack_format = #tpu.pack_format<interleaved>} : vector<32xbf16> -> vector<16xf32>
            %mul3A_437 = arith.mulf %unpack3A_432, %unpack3A_435 : vector<16xf32>
            %add3A_438 = arith.addf %add3A_398, %mul3A_437 : vector<16xf32>
            %mul3A_439 = arith.mulf %unpack3A_433, %unpack3A_436 : vector<16xf32>
            %add3A_440 = arith.addf %add3A_400, %mul3A_439 : vector<16xf32>
            scf.yield %add3A_418, %add3A_420, %add3A_438, %add3A_440 : vector<16xf32>, vector<16xf32>, vector<16xf32>, vector<16xf32>
          }
          %scan3A_108 = arith.constant 2 : i32
          %add3A_109 = arith.addf %scan3A_107#0, %scan3A_107#1 : vector<16xf32>
          %add3A_110 = arith.addf %scan3A_107#2, %scan3A_107#3 : vector<16xf32>
          %add3A_111 = arith.addf %add3A_109, %add3A_110 : vector<16xf32>
          %max3A = arith.constant 0.000000e+00 : f32
          %max3A_112 = vector.broadcast %max3A : f32 to vector<16xf32>
          %max3A_113 = arith.maximumf %add3A_111, %max3A_112 : vector<16xf32>
          %mul3A_114 = arith.constant 16 : i32
          %mul3A_115 = arith.muli %scan3A_96, %mul3A_114 : i32
          %swap3A = arith.index_cast %mul3A_115 : i32 to index
          %swap3A_116 = tpu.vector_load %arg13[%swap3A] {strides = array<i32>} : memref<400xf32, #tpu.memory_space<vmem>>, vector<16xf32>,
          tpu.vector_store %arg13[%swap3A], %max3A_113 {strides = array<i32>} : memref<400xf32, #tpu.memory_space<vmem>>, vector<16xf32>,
          %scan3A_117 = arith.constant 0 : i32
          scf.yield %scan3A_117 : i32
        }
        %scan3A_90 = arith.constant 25 : i32
        %mul3A_91 = arith.constant 400 : i32
        %mul3A_92 = arith.muli %add3A_50, %mul3A_91 : i32
        %add3A_93 = arith.addi %mul3A_2, %mul3A_92 : i32
        %dma_start3A_94 = tpu.memref_slice %arg5[%add3A_93] : memref<320000xf32, #tpu.memory_space<hbm>> -> memref<400xf32, #tpu.memory_space<hbm>>
        %dma_start3A_95 = tpu.memref_slice %arg5[%add3A_93] : memref<320000xf32, #tpu.memory_space<hbm>> -> memref<400xf32, #tpu.memory_space<hbm>>
        tpu.enqueue_dma source(%arg13 : memref<400xf32, #tpu.memory_space<vmem>>) target(%dma_start3A_95 : memref<400xf32, #tpu.memory_space<hbm>>) target_semaphore(%arg17 : memref<!tpu.dma_semaphore, #tpu.memory_space<semaphore_mem>>)
      } else {
      }
      %mul3A_53 = arith.constant 2 : i32
      %mul3A_54 = arith.muli %mul3A_53, %scan3A_45 : i32
      %add3A_55 = arith.constant 1 : i32
      %add3A_56 = arith.addi %mul3A_54, %add3A_55 : i32
      %lt3A_57 = arith.constant 25 : i32
      %lt3A_58 = arith.cmpi slt, %add3A_56, %lt3A_57 : i32
      %convert_element_type3A_59 = arith.extui %lt3A_58 : i1 to i32
      %cond3A_60 = arith.constant 0 : i32
      %cond3A_61 = arith.cmpi ne, %convert_element_type3A_59, %cond3A_60 : i32
      scf.if %cond3A_61 {
        %add3A_63 = arith.constant 1 : i32
        %add3A_64 = arith.addi %add3A_56, %add3A_63 : i32
        %lt3A_65 = arith.constant 25 : i32
        %lt3A_66 = arith.cmpi slt, %add3A_64, %lt3A_65 : i32
        %convert_element_type3A_67 = arith.extui %lt3A_66 : i1 to i32
        %cond3A_68 = arith.constant 0 : i32
        %cond3A_69 = arith.cmpi ne, %convert_element_type3A_67, %cond3A_68 : i32
        scf.if %cond3A_69 {
          %add3A_96 = arith.constant 1 : i32
          %add3A_97 = arith.addi %add3A_56, %add3A_96 : i32
          %mul3A_98 = arith.constant 400 : i32
          %mul3A_99 = arith.muli %add3A_97, %mul3A_98 : i32
          %dma_start3A_100 = tpu.memref_slice %arg7[%mul3A_99] : memref<10000xi32, #tpu.memory_space<vmem>> -> memref<400xi32, #tpu.memory_space<vmem>>
          %dma_start3A_101 = arith.constant 0 : i32
          %dma_start3A_102 = arith.constant 0 : i32
          %dma_start3A_103 = tpu.memref_slice %arg6[%dma_start3A_101, %dma_start3A_102] : memref<10000x32xi32, #tpu.memory_space<vmem_shared>> -> memref<10000x32xi32, #tpu.memory_space<vmem_shared>>
          tpu.enqueue_indirect_dma source(%dma_start3A_103 : memref<10000x32xi32, #tpu.memory_space<vmem_shared>>) target(%arg9 : memref<400x32xi32, #tpu.memory_space<vmem>>) offsets(%dma_start3A_100 : memref<400xi32, #tpu.memory_space<vmem>>) semaphore(%arg15 : memref<!tpu.dma_semaphore, #tpu.memory_space<semaphore_mem>>)
          %mul3A_104 = arith.constant 400 : i32
          %mul3A_105 = arith.muli %add3A_97, %mul3A_104 : i32
          %dma_start3A_106 = tpu.memref_slice %arg8[%mul3A_105] : memref<10000xi32, #tpu.memory_space<vmem>> -> memref<400xi32, #tpu.memory_space<vmem>>
          %dma_start3A_107 = arith.constant 0 : i32
          %dma_start3A_108 = arith.constant 0 : i32
          %dma_start3A_109 = tpu.memref_slice %arg6[%dma_start3A_107, %dma_start3A_108] : memref<10000x32xi32, #tpu.memory_space<vmem_shared>> -> memref<10000x32xi32, #tpu.memory_space<vmem_shared>>
          tpu.enqueue_indirect_dma source(%dma_start3A_109 : memref<10000x32xi32, #tpu.memory_space<vmem_shared>>) target(%arg10 : memref<400x32xi32, #tpu.memory_space<vmem>>) offsets(%dma_start3A_106 : memref<400xi32, #tpu.memory_space<vmem>>) semaphore(%arg15 : memref<!tpu.dma_semaphore, #tpu.memory_space<semaphore_mem>>)
        } else {
        }
        %dma_wait3A_70 = arith.constant 0 : i32
        %dma_wait3A_71 = tpu.memref_slice %arg7[%dma_wait3A_70] : memref<10000xi32, #tpu.memory_space<vmem>> -> memref<400xi32, #tpu.memory_space<vmem>>
        %dma_wait3A_72 = arith.constant 0 : i32
        %dma_wait3A_73 = arith.constant 0 : i32
        %dma_wait3A_74 = tpu.memref_slice %arg6[%dma_wait3A_72, %dma_wait3A_73] : memref<10000x32xi32, #tpu.memory_space<vmem_shared>> -> memref<10000x32xi32, #tpu.memory_space<vmem_shared>>
        tpu.wait_indirect_dma semaphore(%arg16 : memref<!tpu.dma_semaphore, #tpu.memory_space<semaphore_mem>>) src(%dma_wait3A_74 : memref<10000x32xi32, #tpu.memory_space<vmem_shared>>) dst(%arg11 : memref<400x32xi32, #tpu.memory_space<vmem>>)
        %dma_wait3A_75 = arith.constant 0 : i32
        %dma_wait3A_76 = tpu.memref_slice %arg8[%dma_wait3A_75] : memref<10000xi32, #tpu.memory_space<vmem>> -> memref<400xi32, #tpu.memory_space<vmem>>
        %dma_wait3A_77 = arith.constant 0 : i32
        %dma_wait3A_78 = arith.constant 0 : i32
        %dma_wait3A_79 = tpu.memref_slice %arg6[%dma_wait3A_77, %dma_wait3A_78] : memref<10000x32xi32, #tpu.memory_space<vmem_shared>> -> memref<10000x32xi32, #tpu.memory_space<vmem_shared>>
        tpu.wait_indirect_dma semaphore(%arg16 : memref<!tpu.dma_semaphore, #tpu.memory_space<semaphore_mem>>) src(%dma_wait3A_79 : memref<10000x32xi32, #tpu.memory_space<vmem_shared>>) dst(%arg12 : memref<400x32xi32, #tpu.memory_space<vmem>>)
        %ge3A = arith.constant 2 : i32
        %ge3A_80 = arith.cmpi sge, %add3A_56, %ge3A : i32
        %convert_element_type3A_81 = arith.extui %ge3A_80 : i1 to i32
        %cond3A_82 = arith.constant 0 : i32
        %cond3A_83 = arith.cmpi ne, %convert_element_type3A_81, %cond3A_82 : i32
        scf.if %cond3A_83 {
          %dma_wait3A_96 = arith.constant 0 : i32
          %dma_wait3A_97 = tpu.memref_slice %arg5[%dma_wait3A_96] : memref<320000xf32, #tpu.memory_space<hbm>> -> memref<400xf32, #tpu.memory_space<hbm>>
          %dma_wait3A_98 = arith.constant 0 : i32
          %dma_wait3A_99 = tpu.memref_slice %arg5[%dma_wait3A_98] : memref<320000xf32, #tpu.memory_space<hbm>> -> memref<400xf32, #tpu.memory_space<hbm>>
          tpu.wait_dma2 semaphore(%arg18 : memref<!tpu.dma_semaphore, #tpu.memory_space<semaphore_mem>>) src(%arg14 : memref<400xf32, #tpu.memory_space<vmem>>) dst(%dma_wait3A_99 : memref<400xf32, #tpu.memory_space<hbm>>)
        } else {
        }
        %scan3A_84 = arith.constant 0 : i32
        %scan3A_85 = arith.constant 0 : i32
        %scan3A_86 = arith.constant 25 : i32
        %scan3A_87 = arith.addi %scan3A_85, %scan3A_86 : i32
        %scan3A_88 = arith.constant 1 : i32
        %scan3A_89 = scf.for %scan3A_96 = %scan3A_85 to %scan3A_87 step %scan3A_88 iter_args(%scan3A_97 = %scan3A_84) -> (i32)  : i32 {
          %mul3A_98 = arith.constant 16 : i32
          %mul3A_99 = arith.muli %scan3A_96, %mul3A_98 : i32
          %add3A_100 = vector.broadcast %mul3A_99 : i32 to vector<16xi32>
          %add3A_101 = arith.addi %add3A_100, %iota3A : vector<16xi32>
          %broadcast_in_dim3A = arith.constant 0.000000e+00 : f32
          %broadcast_in_dim3A_102 = vector.broadcast %broadcast_in_dim3A : f32 to vector<16xf32>
          %scan3A_103 = arith.constant 0 : i32
          %scan3A_104 = arith.constant 2 : i32
          %scan3A_105 = arith.addi %scan3A_103, %scan3A_104 : i32
          %scan3A_106 = arith.constant 1 : i32
          %scan3A_107:4 = scf.for %scan3A_118 = %scan3A_103 to %scan3A_105 step %scan3A_106 iter_args(%scan3A_119 = %broadcast_in_dim3A_102, %scan3A_120 = %broadcast_in_dim3A_102, %scan3A_121 = %broadcast_in_dim3A_102, %scan3A_122 = %broadcast_in_dim3A_102) -> (vector<16xf32>, vector<16xf32>, vector<16xf32>, vector<16xf32>)  : i32 {
            %mul3A_123 = arith.constant 16 : i32
            %mul3A_124 = arith.muli %scan3A_118, %mul3A_123 : i32
            %add3A_125 = vector.broadcast %mul3A_124 : i32 to vector<16xi32>
            %add3A_126 = arith.addi %iota3A, %add3A_125 : vector<16xi32>
            %add3A_127 = arith.constant 0 : i32
            %add3A_128 = vector.broadcast %add3A_127 : i32 to vector<16xi32>
            %add3A_129 = arith.addi %add3A_126, %add3A_128 : vector<16xi32>
            %and3A = arith.constant 31 : i32
            %and3A_130 = vector.broadcast %and3A : i32 to vector<16xi32>
            %and3A_131 = arith.andi %add3A_129, %and3A_130 : vector<16xi32>
            %gather3A = tpu.vector_load_idx %arg11[%add3A_101, %and3A_131] : memref<400x32xi32, #tpu.memory_space<vmem>>[vector<16xi32>, vector<16xi32>], vector<16xi32>,
            %gather3A_132 = tpu.vector_load_idx %arg12[%add3A_101, %and3A_131] : memref<400x32xi32, #tpu.memory_space<vmem>>[vector<16xi32>, vector<16xi32>], vector<16xi32>,
            %bitcast3A = vector.bitcast %gather3A : vector<16xi32> to vector<32xbf16>
            %unpack3A = tpu.unpack_subelements %bitcast3A, 0 {pack_format = #tpu.pack_format<interleaved>} : vector<32xbf16> -> vector<16xf32>
            %unpack3A_133 = tpu.unpack_subelements %bitcast3A, 1 {pack_format = #tpu.pack_format<interleaved>} : vector<32xbf16> -> vector<16xf32>
            %bitcast3A_134 = vector.bitcast %gather3A_132 : vector<16xi32> to vector<32xbf16>
            %unpack3A_135 = tpu.unpack_subelements %bitcast3A_134, 0 {pack_format = #tpu.pack_format<interleaved>} : vector<32xbf16> -> vector<16xf32>
            %unpack3A_136 = tpu.unpack_subelements %bitcast3A_134, 1 {pack_format = #tpu.pack_format<interleaved>} : vector<32xbf16> -> vector<16xf32>
            %mul3A_137 = arith.mulf %unpack3A, %unpack3A_135 : vector<16xf32>
            %add3A_138 = arith.addf %scan3A_119, %mul3A_137 : vector<16xf32>
            %mul3A_139 = arith.mulf %unpack3A_133, %unpack3A_136 : vector<16xf32>
            %add3A_140 = arith.addf %scan3A_120, %mul3A_139 : vector<16xf32>
            %add3A_141 = vector.broadcast %mul3A_124 : i32 to vector<16xi32>
            %add3A_142 = arith.addi %iota3A, %add3A_141 : vector<16xi32>
            %add3A_143 = arith.constant 1 : i32
            %add3A_144 = vector.broadcast %add3A_143 : i32 to vector<16xi32>
            %add3A_145 = arith.addi %add3A_142, %add3A_144 : vector<16xi32>
            %and3A_146 = arith.constant 31 : i32
            %and3A_147 = vector.broadcast %and3A_146 : i32 to vector<16xi32>
            %and3A_148 = arith.andi %add3A_145, %and3A_147 : vector<16xi32>
            %gather3A_149 = tpu.vector_load_idx %arg11[%add3A_101, %and3A_148] : memref<400x32xi32, #tpu.memory_space<vmem>>[vector<16xi32>, vector<16xi32>], vector<16xi32>,
            %gather3A_150 = tpu.vector_load_idx %arg12[%add3A_101, %and3A_148] : memref<400x32xi32, #tpu.memory_space<vmem>>[vector<16xi32>, vector<16xi32>], vector<16xi32>,
            %bitcast3A_151 = vector.bitcast %gather3A_149 : vector<16xi32> to vector<32xbf16>
            %unpack3A_152 = tpu.unpack_subelements %bitcast3A_151, 0 {pack_format = #tpu.pack_format<interleaved>} : vector<32xbf16> -> vector<16xf32>
            %unpack3A_153 = tpu.unpack_subelements %bitcast3A_151, 1 {pack_format = #tpu.pack_format<interleaved>} : vector<32xbf16> -> vector<16xf32>
            %bitcast3A_154 = vector.bitcast %gather3A_150 : vector<16xi32> to vector<32xbf16>
            %unpack3A_155 = tpu.unpack_subelements %bitcast3A_154, 0 {pack_format = #tpu.pack_format<interleaved>} : vector<32xbf16> -> vector<16xf32>
            %unpack3A_156 = tpu.unpack_subelements %bitcast3A_154, 1 {pack_format = #tpu.pack_format<interleaved>} : vector<32xbf16> -> vector<16xf32>
            %mul3A_157 = arith.mulf %unpack3A_152, %unpack3A_155 : vector<16xf32>
            %add3A_158 = arith.addf %scan3A_121, %mul3A_157 : vector<16xf32>
            %mul3A_159 = arith.mulf %unpack3A_153, %unpack3A_156 : vector<16xf32>
            %add3A_160 = arith.addf %scan3A_122, %mul3A_159 : vector<16xf32>
            %add3A_161 = vector.broadcast %mul3A_124 : i32 to vector<16xi32>
            %add3A_162 = arith.addi %iota3A, %add3A_161 : vector<16xi32>
            %add3A_163 = arith.constant 2 : i32
            %add3A_164 = vector.broadcast %add3A_163 : i32 to vector<16xi32>
            %add3A_165 = arith.addi %add3A_162, %add3A_164 : vector<16xi32>
            %and3A_166 = arith.constant 31 : i32
            %and3A_167 = vector.broadcast %and3A_166 : i32 to vector<16xi32>
            %and3A_168 = arith.andi %add3A_165, %and3A_167 : vector<16xi32>
            %gather3A_169 = tpu.vector_load_idx %arg11[%add3A_101, %and3A_168] : memref<400x32xi32, #tpu.memory_space<vmem>>[vector<16xi32>, vector<16xi32>], vector<16xi32>,
            %gather3A_170 = tpu.vector_load_idx %arg12[%add3A_101, %and3A_168] : memref<400x32xi32, #tpu.memory_space<vmem>>[vector<16xi32>, vector<16xi32>], vector<16xi32>,
            %bitcast3A_171 = vector.bitcast %gather3A_169 : vector<16xi32> to vector<32xbf16>
            %unpack3A_172 = tpu.unpack_subelements %bitcast3A_171, 0 {pack_format = #tpu.pack_format<interleaved>} : vector<32xbf16> -> vector<16xf32>
            %unpack3A_173 = tpu.unpack_subelements %bitcast3A_171, 1 {pack_format = #tpu.pack_format<interleaved>} : vector<32xbf16> -> vector<16xf32>
            %bitcast3A_174 = vector.bitcast %gather3A_170 : vector<16xi32> to vector<32xbf16>
            %unpack3A_175 = tpu.unpack_subelements %bitcast3A_174, 0 {pack_format = #tpu.pack_format<interleaved>} : vector<32xbf16> -> vector<16xf32>
            %unpack3A_176 = tpu.unpack_subelements %bitcast3A_174, 1 {pack_format = #tpu.pack_format<interleaved>} : vector<32xbf16> -> vector<16xf32>
            %mul3A_177 = arith.mulf %unpack3A_172, %unpack3A_175 : vector<16xf32>
            %add3A_178 = arith.addf %add3A_138, %mul3A_177 : vector<16xf32>
            %mul3A_179 = arith.mulf %unpack3A_173, %unpack3A_176 : vector<16xf32>
            %add3A_180 = arith.addf %add3A_140, %mul3A_179 : vector<16xf32>
            %add3A_181 = vector.broadcast %mul3A_124 : i32 to vector<16xi32>
            %add3A_182 = arith.addi %iota3A, %add3A_181 : vector<16xi32>
            %add3A_183 = arith.constant 3 : i32
            %add3A_184 = vector.broadcast %add3A_183 : i32 to vector<16xi32>
            %add3A_185 = arith.addi %add3A_182, %add3A_184 : vector<16xi32>
            %and3A_186 = arith.constant 31 : i32
            %and3A_187 = vector.broadcast %and3A_186 : i32 to vector<16xi32>
            %and3A_188 = arith.andi %add3A_185, %and3A_187 : vector<16xi32>
            %gather3A_189 = tpu.vector_load_idx %arg11[%add3A_101, %and3A_188] : memref<400x32xi32, #tpu.memory_space<vmem>>[vector<16xi32>, vector<16xi32>], vector<16xi32>,
            %gather3A_190 = tpu.vector_load_idx %arg12[%add3A_101, %and3A_188] : memref<400x32xi32, #tpu.memory_space<vmem>>[vector<16xi32>, vector<16xi32>], vector<16xi32>,
            %bitcast3A_191 = vector.bitcast %gather3A_189 : vector<16xi32> to vector<32xbf16>
            %unpack3A_192 = tpu.unpack_subelements %bitcast3A_191, 0 {pack_format = #tpu.pack_format<interleaved>} : vector<32xbf16> -> vector<16xf32>
            %unpack3A_193 = tpu.unpack_subelements %bitcast3A_191, 1 {pack_format = #tpu.pack_format<interleaved>} : vector<32xbf16> -> vector<16xf32>
            %bitcast3A_194 = vector.bitcast %gather3A_190 : vector<16xi32> to vector<32xbf16>
            %unpack3A_195 = tpu.unpack_subelements %bitcast3A_194, 0 {pack_format = #tpu.pack_format<interleaved>} : vector<32xbf16> -> vector<16xf32>
            %unpack3A_196 = tpu.unpack_subelements %bitcast3A_194, 1 {pack_format = #tpu.pack_format<interleaved>} : vector<32xbf16> -> vector<16xf32>
            %mul3A_197 = arith.mulf %unpack3A_192, %unpack3A_195 : vector<16xf32>
            %add3A_198 = arith.addf %add3A_158, %mul3A_197 : vector<16xf32>
            %mul3A_199 = arith.mulf %unpack3A_193, %unpack3A_196 : vector<16xf32>
            %add3A_200 = arith.addf %add3A_160, %mul3A_199 : vector<16xf32>
            %add3A_201 = vector.broadcast %mul3A_124 : i32 to vector<16xi32>
            %add3A_202 = arith.addi %iota3A, %add3A_201 : vector<16xi32>
            %add3A_203 = arith.constant 4 : i32
            %add3A_204 = vector.broadcast %add3A_203 : i32 to vector<16xi32>
            %add3A_205 = arith.addi %add3A_202, %add3A_204 : vector<16xi32>
            %and3A_206 = arith.constant 31 : i32
            %and3A_207 = vector.broadcast %and3A_206 : i32 to vector<16xi32>
            %and3A_208 = arith.andi %add3A_205, %and3A_207 : vector<16xi32>
            %gather3A_209 = tpu.vector_load_idx %arg11[%add3A_101, %and3A_208] : memref<400x32xi32, #tpu.memory_space<vmem>>[vector<16xi32>, vector<16xi32>], vector<16xi32>,
            %gather3A_210 = tpu.vector_load_idx %arg12[%add3A_101, %and3A_208] : memref<400x32xi32, #tpu.memory_space<vmem>>[vector<16xi32>, vector<16xi32>], vector<16xi32>,
            %bitcast3A_211 = vector.bitcast %gather3A_209 : vector<16xi32> to vector<32xbf16>
            %unpack3A_212 = tpu.unpack_subelements %bitcast3A_211, 0 {pack_format = #tpu.pack_format<interleaved>} : vector<32xbf16> -> vector<16xf32>
            %unpack3A_213 = tpu.unpack_subelements %bitcast3A_211, 1 {pack_format = #tpu.pack_format<interleaved>} : vector<32xbf16> -> vector<16xf32>
            %bitcast3A_214 = vector.bitcast %gather3A_210 : vector<16xi32> to vector<32xbf16>
            %unpack3A_215 = tpu.unpack_subelements %bitcast3A_214, 0 {pack_format = #tpu.pack_format<interleaved>} : vector<32xbf16> -> vector<16xf32>
            %unpack3A_216 = tpu.unpack_subelements %bitcast3A_214, 1 {pack_format = #tpu.pack_format<interleaved>} : vector<32xbf16> -> vector<16xf32>
            %mul3A_217 = arith.mulf %unpack3A_212, %unpack3A_215 : vector<16xf32>
            %add3A_218 = arith.addf %add3A_178, %mul3A_217 : vector<16xf32>
            %mul3A_219 = arith.mulf %unpack3A_213, %unpack3A_216 : vector<16xf32>
            %add3A_220 = arith.addf %add3A_180, %mul3A_219 : vector<16xf32>
            %add3A_221 = vector.broadcast %mul3A_124 : i32 to vector<16xi32>
            %add3A_222 = arith.addi %iota3A, %add3A_221 : vector<16xi32>
            %add3A_223 = arith.constant 5 : i32
            %add3A_224 = vector.broadcast %add3A_223 : i32 to vector<16xi32>
            %add3A_225 = arith.addi %add3A_222, %add3A_224 : vector<16xi32>
            %and3A_226 = arith.constant 31 : i32
            %and3A_227 = vector.broadcast %and3A_226 : i32 to vector<16xi32>
            %and3A_228 = arith.andi %add3A_225, %and3A_227 : vector<16xi32>
            %gather3A_229 = tpu.vector_load_idx %arg11[%add3A_101, %and3A_228] : memref<400x32xi32, #tpu.memory_space<vmem>>[vector<16xi32>, vector<16xi32>], vector<16xi32>,
            %gather3A_230 = tpu.vector_load_idx %arg12[%add3A_101, %and3A_228] : memref<400x32xi32, #tpu.memory_space<vmem>>[vector<16xi32>, vector<16xi32>], vector<16xi32>,
            %bitcast3A_231 = vector.bitcast %gather3A_229 : vector<16xi32> to vector<32xbf16>
            %unpack3A_232 = tpu.unpack_subelements %bitcast3A_231, 0 {pack_format = #tpu.pack_format<interleaved>} : vector<32xbf16> -> vector<16xf32>
            %unpack3A_233 = tpu.unpack_subelements %bitcast3A_231, 1 {pack_format = #tpu.pack_format<interleaved>} : vector<32xbf16> -> vector<16xf32>
            %bitcast3A_234 = vector.bitcast %gather3A_230 : vector<16xi32> to vector<32xbf16>
            %unpack3A_235 = tpu.unpack_subelements %bitcast3A_234, 0 {pack_format = #tpu.pack_format<interleaved>} : vector<32xbf16> -> vector<16xf32>
            %unpack3A_236 = tpu.unpack_subelements %bitcast3A_234, 1 {pack_format = #tpu.pack_format<interleaved>} : vector<32xbf16> -> vector<16xf32>
            %mul3A_237 = arith.mulf %unpack3A_232, %unpack3A_235 : vector<16xf32>
            %add3A_238 = arith.addf %add3A_198, %mul3A_237 : vector<16xf32>
            %mul3A_239 = arith.mulf %unpack3A_233, %unpack3A_236 : vector<16xf32>
            %add3A_240 = arith.addf %add3A_200, %mul3A_239 : vector<16xf32>
            %add3A_241 = vector.broadcast %mul3A_124 : i32 to vector<16xi32>
            %add3A_242 = arith.addi %iota3A, %add3A_241 : vector<16xi32>
            %add3A_243 = arith.constant 6 : i32
            %add3A_244 = vector.broadcast %add3A_243 : i32 to vector<16xi32>
            %add3A_245 = arith.addi %add3A_242, %add3A_244 : vector<16xi32>
            %and3A_246 = arith.constant 31 : i32
            %and3A_247 = vector.broadcast %and3A_246 : i32 to vector<16xi32>
            %and3A_248 = arith.andi %add3A_245, %and3A_247 : vector<16xi32>
            %gather3A_249 = tpu.vector_load_idx %arg11[%add3A_101, %and3A_248] : memref<400x32xi32, #tpu.memory_space<vmem>>[vector<16xi32>, vector<16xi32>], vector<16xi32>,
            %gather3A_250 = tpu.vector_load_idx %arg12[%add3A_101, %and3A_248] : memref<400x32xi32, #tpu.memory_space<vmem>>[vector<16xi32>, vector<16xi32>], vector<16xi32>,
            %bitcast3A_251 = vector.bitcast %gather3A_249 : vector<16xi32> to vector<32xbf16>
            %unpack3A_252 = tpu.unpack_subelements %bitcast3A_251, 0 {pack_format = #tpu.pack_format<interleaved>} : vector<32xbf16> -> vector<16xf32>
            %unpack3A_253 = tpu.unpack_subelements %bitcast3A_251, 1 {pack_format = #tpu.pack_format<interleaved>} : vector<32xbf16> -> vector<16xf32>
            %bitcast3A_254 = vector.bitcast %gather3A_250 : vector<16xi32> to vector<32xbf16>
            %unpack3A_255 = tpu.unpack_subelements %bitcast3A_254, 0 {pack_format = #tpu.pack_format<interleaved>} : vector<32xbf16> -> vector<16xf32>
            %unpack3A_256 = tpu.unpack_subelements %bitcast3A_254, 1 {pack_format = #tpu.pack_format<interleaved>} : vector<32xbf16> -> vector<16xf32>
            %mul3A_257 = arith.mulf %unpack3A_252, %unpack3A_255 : vector<16xf32>
            %add3A_258 = arith.addf %add3A_218, %mul3A_257 : vector<16xf32>
            %mul3A_259 = arith.mulf %unpack3A_253, %unpack3A_256 : vector<16xf32>
            %add3A_260 = arith.addf %add3A_220, %mul3A_259 : vector<16xf32>
            %add3A_261 = vector.broadcast %mul3A_124 : i32 to vector<16xi32>
            %add3A_262 = arith.addi %iota3A, %add3A_261 : vector<16xi32>
            %add3A_263 = arith.constant 7 : i32
            %add3A_264 = vector.broadcast %add3A_263 : i32 to vector<16xi32>
            %add3A_265 = arith.addi %add3A_262, %add3A_264 : vector<16xi32>
            %and3A_266 = arith.constant 31 : i32
            %and3A_267 = vector.broadcast %and3A_266 : i32 to vector<16xi32>
            %and3A_268 = arith.andi %add3A_265, %and3A_267 : vector<16xi32>
            %gather3A_269 = tpu.vector_load_idx %arg11[%add3A_101, %and3A_268] : memref<400x32xi32, #tpu.memory_space<vmem>>[vector<16xi32>, vector<16xi32>], vector<16xi32>,
            %gather3A_270 = tpu.vector_load_idx %arg12[%add3A_101, %and3A_268] : memref<400x32xi32, #tpu.memory_space<vmem>>[vector<16xi32>, vector<16xi32>], vector<16xi32>,
            %bitcast3A_271 = vector.bitcast %gather3A_269 : vector<16xi32> to vector<32xbf16>
            %unpack3A_272 = tpu.unpack_subelements %bitcast3A_271, 0 {pack_format = #tpu.pack_format<interleaved>} : vector<32xbf16> -> vector<16xf32>
            %unpack3A_273 = tpu.unpack_subelements %bitcast3A_271, 1 {pack_format = #tpu.pack_format<interleaved>} : vector<32xbf16> -> vector<16xf32>
            %bitcast3A_274 = vector.bitcast %gather3A_270 : vector<16xi32> to vector<32xbf16>
            %unpack3A_275 = tpu.unpack_subelements %bitcast3A_274, 0 {pack_format = #tpu.pack_format<interleaved>} : vector<32xbf16> -> vector<16xf32>
            %unpack3A_276 = tpu.unpack_subelements %bitcast3A_274, 1 {pack_format = #tpu.pack_format<interleaved>} : vector<32xbf16> -> vector<16xf32>
            %mul3A_277 = arith.mulf %unpack3A_272, %unpack3A_275 : vector<16xf32>
            %add3A_278 = arith.addf %add3A_238, %mul3A_277 : vector<16xf32>
            %mul3A_279 = arith.mulf %unpack3A_273, %unpack3A_276 : vector<16xf32>
            %add3A_280 = arith.addf %add3A_240, %mul3A_279 : vector<16xf32>
            %add3A_281 = vector.broadcast %mul3A_124 : i32 to vector<16xi32>
            %add3A_282 = arith.addi %iota3A, %add3A_281 : vector<16xi32>
            %add3A_283 = arith.constant 8 : i32
            %add3A_284 = vector.broadcast %add3A_283 : i32 to vector<16xi32>
            %add3A_285 = arith.addi %add3A_282, %add3A_284 : vector<16xi32>
            %and3A_286 = arith.constant 31 : i32
            %and3A_287 = vector.broadcast %and3A_286 : i32 to vector<16xi32>
            %and3A_288 = arith.andi %add3A_285, %and3A_287 : vector<16xi32>
            %gather3A_289 = tpu.vector_load_idx %arg11[%add3A_101, %and3A_288] : memref<400x32xi32, #tpu.memory_space<vmem>>[vector<16xi32>, vector<16xi32>], vector<16xi32>,
            %gather3A_290 = tpu.vector_load_idx %arg12[%add3A_101, %and3A_288] : memref<400x32xi32, #tpu.memory_space<vmem>>[vector<16xi32>, vector<16xi32>], vector<16xi32>,
            %bitcast3A_291 = vector.bitcast %gather3A_289 : vector<16xi32> to vector<32xbf16>
            %unpack3A_292 = tpu.unpack_subelements %bitcast3A_291, 0 {pack_format = #tpu.pack_format<interleaved>} : vector<32xbf16> -> vector<16xf32>
            %unpack3A_293 = tpu.unpack_subelements %bitcast3A_291, 1 {pack_format = #tpu.pack_format<interleaved>} : vector<32xbf16> -> vector<16xf32>
            %bitcast3A_294 = vector.bitcast %gather3A_290 : vector<16xi32> to vector<32xbf16>
            %unpack3A_295 = tpu.unpack_subelements %bitcast3A_294, 0 {pack_format = #tpu.pack_format<interleaved>} : vector<32xbf16> -> vector<16xf32>
            %unpack3A_296 = tpu.unpack_subelements %bitcast3A_294, 1 {pack_format = #tpu.pack_format<interleaved>} : vector<32xbf16> -> vector<16xf32>
            %mul3A_297 = arith.mulf %unpack3A_292, %unpack3A_295 : vector<16xf32>
            %add3A_298 = arith.addf %add3A_258, %mul3A_297 : vector<16xf32>
            %mul3A_299 = arith.mulf %unpack3A_293, %unpack3A_296 : vector<16xf32>
            %add3A_300 = arith.addf %add3A_260, %mul3A_299 : vector<16xf32>
            %add3A_301 = vector.broadcast %mul3A_124 : i32 to vector<16xi32>
            %add3A_302 = arith.addi %iota3A, %add3A_301 : vector<16xi32>
            %add3A_303 = arith.constant 9 : i32
            %add3A_304 = vector.broadcast %add3A_303 : i32 to vector<16xi32>
            %add3A_305 = arith.addi %add3A_302, %add3A_304 : vector<16xi32>
            %and3A_306 = arith.constant 31 : i32
            %and3A_307 = vector.broadcast %and3A_306 : i32 to vector<16xi32>
            %and3A_308 = arith.andi %add3A_305, %and3A_307 : vector<16xi32>
            %gather3A_309 = tpu.vector_load_idx %arg11[%add3A_101, %and3A_308] : memref<400x32xi32, #tpu.memory_space<vmem>>[vector<16xi32>, vector<16xi32>], vector<16xi32>,
            %gather3A_310 = tpu.vector_load_idx %arg12[%add3A_101, %and3A_308] : memref<400x32xi32, #tpu.memory_space<vmem>>[vector<16xi32>, vector<16xi32>], vector<16xi32>,
            %bitcast3A_311 = vector.bitcast %gather3A_309 : vector<16xi32> to vector<32xbf16>
            %unpack3A_312 = tpu.unpack_subelements %bitcast3A_311, 0 {pack_format = #tpu.pack_format<interleaved>} : vector<32xbf16> -> vector<16xf32>
            %unpack3A_313 = tpu.unpack_subelements %bitcast3A_311, 1 {pack_format = #tpu.pack_format<interleaved>} : vector<32xbf16> -> vector<16xf32>
            %bitcast3A_314 = vector.bitcast %gather3A_310 : vector<16xi32> to vector<32xbf16>
            %unpack3A_315 = tpu.unpack_subelements %bitcast3A_314, 0 {pack_format = #tpu.pack_format<interleaved>} : vector<32xbf16> -> vector<16xf32>
            %unpack3A_316 = tpu.unpack_subelements %bitcast3A_314, 1 {pack_format = #tpu.pack_format<interleaved>} : vector<32xbf16> -> vector<16xf32>
            %mul3A_317 = arith.mulf %unpack3A_312, %unpack3A_315 : vector<16xf32>
            %add3A_318 = arith.addf %add3A_278, %mul3A_317 : vector<16xf32>
            %mul3A_319 = arith.mulf %unpack3A_313, %unpack3A_316 : vector<16xf32>
            %add3A_320 = arith.addf %add3A_280, %mul3A_319 : vector<16xf32>
            %add3A_321 = vector.broadcast %mul3A_124 : i32 to vector<16xi32>
            %add3A_322 = arith.addi %iota3A, %add3A_321 : vector<16xi32>
            %add3A_323 = arith.constant 10 : i32
            %add3A_324 = vector.broadcast %add3A_323 : i32 to vector<16xi32>
            %add3A_325 = arith.addi %add3A_322, %add3A_324 : vector<16xi32>
            %and3A_326 = arith.constant 31 : i32
            %and3A_327 = vector.broadcast %and3A_326 : i32 to vector<16xi32>
            %and3A_328 = arith.andi %add3A_325, %and3A_327 : vector<16xi32>
            %gather3A_329 = tpu.vector_load_idx %arg11[%add3A_101, %and3A_328] : memref<400x32xi32, #tpu.memory_space<vmem>>[vector<16xi32>, vector<16xi32>], vector<16xi32>,
            %gather3A_330 = tpu.vector_load_idx %arg12[%add3A_101, %and3A_328] : memref<400x32xi32, #tpu.memory_space<vmem>>[vector<16xi32>, vector<16xi32>], vector<16xi32>,
            %bitcast3A_331 = vector.bitcast %gather3A_329 : vector<16xi32> to vector<32xbf16>
            %unpack3A_332 = tpu.unpack_subelements %bitcast3A_331, 0 {pack_format = #tpu.pack_format<interleaved>} : vector<32xbf16> -> vector<16xf32>
            %unpack3A_333 = tpu.unpack_subelements %bitcast3A_331, 1 {pack_format = #tpu.pack_format<interleaved>} : vector<32xbf16> -> vector<16xf32>
            %bitcast3A_334 = vector.bitcast %gather3A_330 : vector<16xi32> to vector<32xbf16>
            %unpack3A_335 = tpu.unpack_subelements %bitcast3A_334, 0 {pack_format = #tpu.pack_format<interleaved>} : vector<32xbf16> -> vector<16xf32>
            %unpack3A_336 = tpu.unpack_subelements %bitcast3A_334, 1 {pack_format = #tpu.pack_format<interleaved>} : vector<32xbf16> -> vector<16xf32>
            %mul3A_337 = arith.mulf %unpack3A_332, %unpack3A_335 : vector<16xf32>
            %add3A_338 = arith.addf %add3A_298, %mul3A_337 : vector<16xf32>
            %mul3A_339 = arith.mulf %unpack3A_333, %unpack3A_336 : vector<16xf32>
            %add3A_340 = arith.addf %add3A_300, %mul3A_339 : vector<16xf32>
            %add3A_341 = vector.broadcast %mul3A_124 : i32 to vector<16xi32>
            %add3A_342 = arith.addi %iota3A, %add3A_341 : vector<16xi32>
            %add3A_343 = arith.constant 11 : i32
            %add3A_344 = vector.broadcast %add3A_343 : i32 to vector<16xi32>
            %add3A_345 = arith.addi %add3A_342, %add3A_344 : vector<16xi32>
            %and3A_346 = arith.constant 31 : i32
            %and3A_347 = vector.broadcast %and3A_346 : i32 to vector<16xi32>
            %and3A_348 = arith.andi %add3A_345, %and3A_347 : vector<16xi32>
            %gather3A_349 = tpu.vector_load_idx %arg11[%add3A_101, %and3A_348] : memref<400x32xi32, #tpu.memory_space<vmem>>[vector<16xi32>, vector<16xi32>], vector<16xi32>,
            %gather3A_350 = tpu.vector_load_idx %arg12[%add3A_101, %and3A_348] : memref<400x32xi32, #tpu.memory_space<vmem>>[vector<16xi32>, vector<16xi32>], vector<16xi32>,
            %bitcast3A_351 = vector.bitcast %gather3A_349 : vector<16xi32> to vector<32xbf16>
            %unpack3A_352 = tpu.unpack_subelements %bitcast3A_351, 0 {pack_format = #tpu.pack_format<interleaved>} : vector<32xbf16> -> vector<16xf32>
            %unpack3A_353 = tpu.unpack_subelements %bitcast3A_351, 1 {pack_format = #tpu.pack_format<interleaved>} : vector<32xbf16> -> vector<16xf32>
            %bitcast3A_354 = vector.bitcast %gather3A_350 : vector<16xi32> to vector<32xbf16>
            %unpack3A_355 = tpu.unpack_subelements %bitcast3A_354, 0 {pack_format = #tpu.pack_format<interleaved>} : vector<32xbf16> -> vector<16xf32>
            %unpack3A_356 = tpu.unpack_subelements %bitcast3A_354, 1 {pack_format = #tpu.pack_format<interleaved>} : vector<32xbf16> -> vector<16xf32>
            %mul3A_357 = arith.mulf %unpack3A_352, %unpack3A_355 : vector<16xf32>
            %add3A_358 = arith.addf %add3A_318, %mul3A_357 : vector<16xf32>
            %mul3A_359 = arith.mulf %unpack3A_353, %unpack3A_356 : vector<16xf32>
            %add3A_360 = arith.addf %add3A_320, %mul3A_359 : vector<16xf32>
            %add3A_361 = vector.broadcast %mul3A_124 : i32 to vector<16xi32>
            %add3A_362 = arith.addi %iota3A, %add3A_361 : vector<16xi32>
            %add3A_363 = arith.constant 12 : i32
            %add3A_364 = vector.broadcast %add3A_363 : i32 to vector<16xi32>
            %add3A_365 = arith.addi %add3A_362, %add3A_364 : vector<16xi32>
            %and3A_366 = arith.constant 31 : i32
            %and3A_367 = vector.broadcast %and3A_366 : i32 to vector<16xi32>
            %and3A_368 = arith.andi %add3A_365, %and3A_367 : vector<16xi32>
            %gather3A_369 = tpu.vector_load_idx %arg11[%add3A_101, %and3A_368] : memref<400x32xi32, #tpu.memory_space<vmem>>[vector<16xi32>, vector<16xi32>], vector<16xi32>,
            %gather3A_370 = tpu.vector_load_idx %arg12[%add3A_101, %and3A_368] : memref<400x32xi32, #tpu.memory_space<vmem>>[vector<16xi32>, vector<16xi32>], vector<16xi32>,
            %bitcast3A_371 = vector.bitcast %gather3A_369 : vector<16xi32> to vector<32xbf16>
            %unpack3A_372 = tpu.unpack_subelements %bitcast3A_371, 0 {pack_format = #tpu.pack_format<interleaved>} : vector<32xbf16> -> vector<16xf32>
            %unpack3A_373 = tpu.unpack_subelements %bitcast3A_371, 1 {pack_format = #tpu.pack_format<interleaved>} : vector<32xbf16> -> vector<16xf32>
            %bitcast3A_374 = vector.bitcast %gather3A_370 : vector<16xi32> to vector<32xbf16>
            %unpack3A_375 = tpu.unpack_subelements %bitcast3A_374, 0 {pack_format = #tpu.pack_format<interleaved>} : vector<32xbf16> -> vector<16xf32>
            %unpack3A_376 = tpu.unpack_subelements %bitcast3A_374, 1 {pack_format = #tpu.pack_format<interleaved>} : vector<32xbf16> -> vector<16xf32>
            %mul3A_377 = arith.mulf %unpack3A_372, %unpack3A_375 : vector<16xf32>
            %add3A_378 = arith.addf %add3A_338, %mul3A_377 : vector<16xf32>
            %mul3A_379 = arith.mulf %unpack3A_373, %unpack3A_376 : vector<16xf32>
            %add3A_380 = arith.addf %add3A_340, %mul3A_379 : vector<16xf32>
            %add3A_381 = vector.broadcast %mul3A_124 : i32 to vector<16xi32>
            %add3A_382 = arith.addi %iota3A, %add3A_381 : vector<16xi32>
            %add3A_383 = arith.constant 13 : i32
            %add3A_384 = vector.broadcast %add3A_383 : i32 to vector<16xi32>
            %add3A_385 = arith.addi %add3A_382, %add3A_384 : vector<16xi32>
            %and3A_386 = arith.constant 31 : i32
            %and3A_387 = vector.broadcast %and3A_386 : i32 to vector<16xi32>
            %and3A_388 = arith.andi %add3A_385, %and3A_387 : vector<16xi32>
            %gather3A_389 = tpu.vector_load_idx %arg11[%add3A_101, %and3A_388] : memref<400x32xi32, #tpu.memory_space<vmem>>[vector<16xi32>, vector<16xi32>], vector<16xi32>,
            %gather3A_390 = tpu.vector_load_idx %arg12[%add3A_101, %and3A_388] : memref<400x32xi32, #tpu.memory_space<vmem>>[vector<16xi32>, vector<16xi32>], vector<16xi32>,
            %bitcast3A_391 = vector.bitcast %gather3A_389 : vector<16xi32> to vector<32xbf16>
            %unpack3A_392 = tpu.unpack_subelements %bitcast3A_391, 0 {pack_format = #tpu.pack_format<interleaved>} : vector<32xbf16> -> vector<16xf32>
            %unpack3A_393 = tpu.unpack_subelements %bitcast3A_391, 1 {pack_format = #tpu.pack_format<interleaved>} : vector<32xbf16> -> vector<16xf32>
            %bitcast3A_394 = vector.bitcast %gather3A_390 : vector<16xi32> to vector<32xbf16>
            %unpack3A_395 = tpu.unpack_subelements %bitcast3A_394, 0 {pack_format = #tpu.pack_format<interleaved>} : vector<32xbf16> -> vector<16xf32>
            %unpack3A_396 = tpu.unpack_subelements %bitcast3A_394, 1 {pack_format = #tpu.pack_format<interleaved>} : vector<32xbf16> -> vector<16xf32>
            %mul3A_397 = arith.mulf %unpack3A_392, %unpack3A_395 : vector<16xf32>
            %add3A_398 = arith.addf %add3A_358, %mul3A_397 : vector<16xf32>
            %mul3A_399 = arith.mulf %unpack3A_393, %unpack3A_396 : vector<16xf32>
            %add3A_400 = arith.addf %add3A_360, %mul3A_399 : vector<16xf32>
            %add3A_401 = vector.broadcast %mul3A_124 : i32 to vector<16xi32>
            %add3A_402 = arith.addi %iota3A, %add3A_401 : vector<16xi32>
            %add3A_403 = arith.constant 14 : i32
            %add3A_404 = vector.broadcast %add3A_403 : i32 to vector<16xi32>
            %add3A_405 = arith.addi %add3A_402, %add3A_404 : vector<16xi32>
            %and3A_406 = arith.constant 31 : i32
            %and3A_407 = vector.broadcast %and3A_406 : i32 to vector<16xi32>
            %and3A_408 = arith.andi %add3A_405, %and3A_407 : vector<16xi32>
            %gather3A_409 = tpu.vector_load_idx %arg11[%add3A_101, %and3A_408] : memref<400x32xi32, #tpu.memory_space<vmem>>[vector<16xi32>, vector<16xi32>], vector<16xi32>,
            %gather3A_410 = tpu.vector_load_idx %arg12[%add3A_101, %and3A_408] : memref<400x32xi32, #tpu.memory_space<vmem>>[vector<16xi32>, vector<16xi32>], vector<16xi32>,
            %bitcast3A_411 = vector.bitcast %gather3A_409 : vector<16xi32> to vector<32xbf16>
            %unpack3A_412 = tpu.unpack_subelements %bitcast3A_411, 0 {pack_format = #tpu.pack_format<interleaved>} : vector<32xbf16> -> vector<16xf32>
            %unpack3A_413 = tpu.unpack_subelements %bitcast3A_411, 1 {pack_format = #tpu.pack_format<interleaved>} : vector<32xbf16> -> vector<16xf32>
            %bitcast3A_414 = vector.bitcast %gather3A_410 : vector<16xi32> to vector<32xbf16>
            %unpack3A_415 = tpu.unpack_subelements %bitcast3A_414, 0 {pack_format = #tpu.pack_format<interleaved>} : vector<32xbf16> -> vector<16xf32>
            %unpack3A_416 = tpu.unpack_subelements %bitcast3A_414, 1 {pack_format = #tpu.pack_format<interleaved>} : vector<32xbf16> -> vector<16xf32>
            %mul3A_417 = arith.mulf %unpack3A_412, %unpack3A_415 : vector<16xf32>
            %add3A_418 = arith.addf %add3A_378, %mul3A_417 : vector<16xf32>
            %mul3A_419 = arith.mulf %unpack3A_413, %unpack3A_416 : vector<16xf32>
            %add3A_420 = arith.addf %add3A_380, %mul3A_419 : vector<16xf32>
            %add3A_421 = vector.broadcast %mul3A_124 : i32 to vector<16xi32>
            %add3A_422 = arith.addi %iota3A, %add3A_421 : vector<16xi32>
            %add3A_423 = arith.constant 15 : i32
            %add3A_424 = vector.broadcast %add3A_423 : i32 to vector<16xi32>
            %add3A_425 = arith.addi %add3A_422, %add3A_424 : vector<16xi32>
            %and3A_426 = arith.constant 31 : i32
            %and3A_427 = vector.broadcast %and3A_426 : i32 to vector<16xi32>
            %and3A_428 = arith.andi %add3A_425, %and3A_427 : vector<16xi32>
            %gather3A_429 = tpu.vector_load_idx %arg11[%add3A_101, %and3A_428] : memref<400x32xi32, #tpu.memory_space<vmem>>[vector<16xi32>, vector<16xi32>], vector<16xi32>,
            %gather3A_430 = tpu.vector_load_idx %arg12[%add3A_101, %and3A_428] : memref<400x32xi32, #tpu.memory_space<vmem>>[vector<16xi32>, vector<16xi32>], vector<16xi32>,
            %bitcast3A_431 = vector.bitcast %gather3A_429 : vector<16xi32> to vector<32xbf16>
            %unpack3A_432 = tpu.unpack_subelements %bitcast3A_431, 0 {pack_format = #tpu.pack_format<interleaved>} : vector<32xbf16> -> vector<16xf32>
            %unpack3A_433 = tpu.unpack_subelements %bitcast3A_431, 1 {pack_format = #tpu.pack_format<interleaved>} : vector<32xbf16> -> vector<16xf32>
            %bitcast3A_434 = vector.bitcast %gather3A_430 : vector<16xi32> to vector<32xbf16>
            %unpack3A_435 = tpu.unpack_subelements %bitcast3A_434, 0 {pack_format = #tpu.pack_format<interleaved>} : vector<32xbf16> -> vector<16xf32>
            %unpack3A_436 = tpu.unpack_subelements %bitcast3A_434, 1 {pack_format = #tpu.pack_format<interleaved>} : vector<32xbf16> -> vector<16xf32>
            %mul3A_437 = arith.mulf %unpack3A_432, %unpack3A_435 : vector<16xf32>
            %add3A_438 = arith.addf %add3A_398, %mul3A_437 : vector<16xf32>
            %mul3A_439 = arith.mulf %unpack3A_433, %unpack3A_436 : vector<16xf32>
            %add3A_440 = arith.addf %add3A_400, %mul3A_439 : vector<16xf32>
            scf.yield %add3A_418, %add3A_420, %add3A_438, %add3A_440 : vector<16xf32>, vector<16xf32>, vector<16xf32>, vector<16xf32>
          }
          %scan3A_108 = arith.constant 2 : i32
          %add3A_109 = arith.addf %scan3A_107#0, %scan3A_107#1 : vector<16xf32>
          %add3A_110 = arith.addf %scan3A_107#2, %scan3A_107#3 : vector<16xf32>
          %add3A_111 = arith.addf %add3A_109, %add3A_110 : vector<16xf32>
          %max3A = arith.constant 0.000000e+00 : f32
          %max3A_112 = vector.broadcast %max3A : f32 to vector<16xf32>
          %max3A_113 = arith.maximumf %add3A_111, %max3A_112 : vector<16xf32>
          %mul3A_114 = arith.constant 16 : i32
          %mul3A_115 = arith.muli %scan3A_96, %mul3A_114 : i32
          %swap3A = arith.index_cast %mul3A_115 : i32 to index
          %swap3A_116 = tpu.vector_load %arg14[%swap3A] {strides = array<i32>} : memref<400xf32, #tpu.memory_space<vmem>>, vector<16xf32>,
          tpu.vector_store %arg14[%swap3A], %max3A_113 {strides = array<i32>} : memref<400xf32, #tpu.memory_space<vmem>>, vector<16xf32>,
          %scan3A_117 = arith.constant 0 : i32
          scf.yield %scan3A_117 : i32
        }
        %scan3A_90 = arith.constant 25 : i32
        %mul3A_91 = arith.constant 400 : i32
        %mul3A_92 = arith.muli %add3A_56, %mul3A_91 : i32
        %add3A_93 = arith.addi %mul3A_2, %mul3A_92 : i32
        %dma_start3A_94 = tpu.memref_slice %arg5[%add3A_93] : memref<320000xf32, #tpu.memory_space<hbm>> -> memref<400xf32, #tpu.memory_space<hbm>>
        %dma_start3A_95 = tpu.memref_slice %arg5[%add3A_93] : memref<320000xf32, #tpu.memory_space<hbm>> -> memref<400xf32, #tpu.memory_space<hbm>>
        tpu.enqueue_dma source(%arg14 : memref<400xf32, #tpu.memory_space<vmem>>) target(%dma_start3A_95 : memref<400xf32, #tpu.memory_space<hbm>>) target_semaphore(%arg18 : memref<!tpu.dma_semaphore, #tpu.memory_space<semaphore_mem>>)
      } else {
      }
      %scan3A_62 = arith.constant 0 : i32
      scf.yield %scan3A_62 : i32
    }
    %scan3A_36 = arith.constant 13 : i32
    %dma_wait3A_37 = arith.constant 0 : i32
    %dma_wait3A_38 = tpu.memref_slice %arg5[%dma_wait3A_37] : memref<320000xf32, #tpu.memory_space<hbm>> -> memref<400xf32, #tpu.memory_space<hbm>>
    %dma_wait3A_39 = arith.constant 0 : i32
    %dma_wait3A_40 = tpu.memref_slice %arg5[%dma_wait3A_39] : memref<320000xf32, #tpu.memory_space<hbm>> -> memref<400xf32, #tpu.memory_space<hbm>>
    tpu.wait_dma2 semaphore(%arg17 : memref<!tpu.dma_semaphore, #tpu.memory_space<semaphore_mem>>) src(%arg13 : memref<400xf32, #tpu.memory_space<vmem>>) dst(%dma_wait3A_40 : memref<400xf32, #tpu.memory_space<hbm>>)
    %dma_wait3A_41 = arith.constant 0 : i32
    %dma_wait3A_42 = tpu.memref_slice %arg5[%dma_wait3A_41] : memref<320000xf32, #tpu.memory_space<hbm>> -> memref<400xf32, #tpu.memory_space<hbm>>
    %dma_wait3A_43 = arith.constant 0 : i32
    %dma_wait3A_44 = tpu.memref_slice %arg5[%dma_wait3A_43] : memref<320000xf32, #tpu.memory_space<hbm>> -> memref<400xf32, #tpu.memory_space<hbm>>
    tpu.wait_dma2 semaphore(%arg18 : memref<!tpu.dma_semaphore, #tpu.memory_space<semaphore_mem>>) src(%arg14 : memref<400xf32, #tpu.memory_space<vmem>>) dst(%dma_wait3A_44 : memref<400xf32, #tpu.memory_space<hbm>>)
    return
  }
}

</mosaic_0001>

<sc_bundles>
// kernel: _edge_scores.3.cloned.1.call-start
scs
__scs_entry_jumppad:
0x0: {  	(pc) =	sbr.rel $0x88, $3  }
0x1: {  	(tag) =	ssettag $0x0;
	lr =	simm.s32 $0x1  }
0x2: {  	[smem:$0x3F9E] =	sst lr;
	_ =	strace $0xD0000000  }
0x3: {  	_ = 	snop  }
0x4: {  	_ = 	snop  }
0x5: {  	_ = 	snop  }
0x6: {  	_ = 	snop  }
0x7: {  	_ = 	snop  }
__scs_overlays_trampoline_lowered:
0x8: {  	[smem:$0x3FAD] =	sst s0  }
0x9: {  	[smem:$0x3FAE] =	sst s1  }
0xa: {  	[smem:$0x3FAF] =	sst s2  }
0xb: {  	[smem:$0x3FB0] =	sst s3  }
0xc: {  	[smem:$0x3FB1] =	sst s4  }
0xd: {  	[smem:$0x3FB2] =	sst s5  }
0xe: {  	[smem:$0x3FB3] =	sst s6  }
0xf: {  	[smem:$0x3FB4] =	sst s7  }
0x10: {  	[smem:$0x3FB5] =	sst s8  }
0x11: {  	[smem:$0x3FB6] =	sst s9;
	s0 =	simm.s32 @!p0 $0x0  }
0x12: {  	s1 =	sld [smem:$0x3F9C];
	s0 =	simm.s32 @p0 $0x1  }
0x13: {  	[smem:$0x3FB7] =	sst s0;
	s0 =	simm.s32 @!p1 $0x0  }
0x14: {  	s2 =	sld [smem:$0x3F9B];
	s0 =	simm.s32 @p1 $0x1  }
0x15: {  	[smem:$0x3FB8] =	sst s0;
	s0 =	simm.s32 @!p2 $0x0  }
0x16: {  	s3 =	sld [smem:$0x3FDB];
	s0 =	simm.s32 @p2 $0x1  }
0x17: {  	s4 =	simm.s32 $0x1BF5;
	[smem:$0x3FBA] =	sst s0  }
0x18: {  	s0 =	sld [smem:$0x3F9D];
	_ =	swait.ge [sflag:s4], $0x0  }
0x19: {  	s7 =	sld [smem:$0x3F9E]  }
0x1a: {  	s8 =	sadd.s32 $0xFFFFE003, lr  }
0x1b: {  	s9 =	sadd.s32 $0xFFFFFEF7, lr;
	s5 =	simm.s32 $0xFFFFFFFF;
	p2 =	slt.u32 s8, $0xFFFFF086  }
0x1c: {  	p1 =	slt.u32 s9, $0xF7A;
	s5 =	simm.s32 @!p2 $0x0  }
0x1d: {  	s5 =	simm.s32 @p1 $0x1;
	p0 =	seq.s32 s7, s2  }
0x1e: {  	s7 =	smul.u32 @!p0 $0xF7A, s2;
	p2 =	seq.s32 @!p0 s5, $0x0  }
0x1f: {  	s9 =	smul.u32 $0xF7A, s1;
	s8 =	simm.s32 @!p0 $0x1BF5;
	p2 =	por !p2, p0  }
0x20: {  	[sflag:s8] =	ssyncset.s32 @!p0 $0xFFFFF086;
	s6 =	sadd.s32 @!p0 s3, s7;
	s7 =	simm.s32 @!p0 $0x108  }
0x21: {  	s3 =	sadd.s32 s3, s9;
	s6 =	sadd.s32 @!p0 $0x88, s6;
	s7 =	simm.s32 @p2 $0x1082  }
0x22: {  	[simem:s7], [sflag:s8] =	dma.local @!p0 [hbm:s6], $0xF7A  }
0x23: {  	s9 =	sor.u32 $0xD0000000, s2;
	s6 =	simm.s32 $0x108;
	_ =	swait.ge @!p0 [sflag:s8], $0x0  }
0x24: {  	s3 =	sadd.s32 $0x88, s3;
	s6 =	simm.s32 @!p1 $0x1082;
	[sflag:s4] =	ssyncset.s32 $0xFFFFF086  }
0x25: {  	[simem:s6], [sflag:s4] =	dma.local [hbm:s3], $0xF7A  }
0x26: {  	[smem:$0x3F9E] =	sst s1;
	(tag) =	ssettag s2;
	_ =	strace s9  }
0x27: {  	s1 =	sld [smem:$0x3FAE]  }
0x28: {  	s2 =	sld [smem:$0x3FAF]  }
0x29: {  	s4 =	sld [smem:$0x3FB1]  }
0x2a: {  	p0 =	seq.s32 s5, $0x0;
	s5 =	sld [smem:$0x3FB2]  }
0x2b: {  	s6 =	sld [smem:$0x3FB3]  }
0x2c: {  	s7 =	sld [smem:$0x3FB4]  }
0x2d: {  	s3 =	simm.s32 $0x108;
	s8 =	sld [smem:$0x3FB5]  }
0x2e: {  	s3 =	simm.s32 @!p0 $0x1082;
	s9 =	sld [smem:$0x3FB6]  }
0x2f: {  	lr =	sadd.s32 s0, s3;
	s0 =	sld [smem:$0x3FAD]  }
0x30: {  	s3 =	sld [smem:$0x3FB0]  }
0x31: {  	[smem:$0x3FB9] =	sst s10  }
0x32: {  	s10 =	sld [smem:$0x3FB7];
	_ =	sdelay $0x3  }
0x33: {  	p0 =	seq.s32 s10, $0x1;
	s10 =	sld [smem:$0x3FB9];
	_ =	sdelay $0x3  }
0x34: {  	[smem:$0x3FB9] =	sst s10  }
0x35: {  	s10 =	sld [smem:$0x3FB8];
	_ =	sdelay $0x3  }
0x36: {  	p1 =	seq.s32 s10, $0x1;
	s10 =	sld [smem:$0x3FB9];
	_ =	sdelay $0x3  }
0x37: {  	[smem:$0x3FB9] =	sst s10  }
0x38: {  	s10 =	sld [smem:$0x3FBA]  }
0x39: {  	_ = 	snop;
	(pc) =	sbr.ind lr, $3  }
0x3a: {  	_ = 	snop  }
0x3b: {  	_ = 	snop  }
0x3c: {  	p2 =	seq.s32 s10, $0x1;
	s10 =	sld [smem:$0x3FB9]  }
0x3d: {  	_ =	shalt  }
0x3e: {  	_ =	shalt  }
0x3f: {  	_ =	shalt  }
0x40: {  	_ =	shalt  }
0x41: {  	_ =	shalt  }
0x42: {  	_ =	shalt  }
0x43: {  	_ =	shalt  }
0x44: {  	_ =	shalt  }
0x45: {  	_ =	shalt  }
0x46: {  	_ =	shalt  }
0x47: {  	_ =	shalt  }
0x48: {  	_ =	shalt  }
0x49: {  	_ =	shalt  }
0x4a: {  	_ =	shalt  }
0x4b: {  	_ =	shalt  }
0x4c: {  	_ =	shalt  }
0x4d: {  	_ =	shalt  }
0x4e: {  	_ =	shalt  }
0x4f: {  	_ =	shalt  }
0x50: {  	_ =	shalt  }
0x51: {  	_ =	shalt  }
0x52: {  	_ =	shalt  }
0x53: {  	_ =	shalt  }
0x54: {  	_ =	shalt  }
0x55: {  	_ =	shalt  }
0x56: {  	_ =	shalt  }
0x57: {  	_ =	shalt  }
0x58: {  	_ =	shalt  }
0x59: {  	_ =	shalt  }
0x5a: {  	_ =	shalt  }
0x5b: {  	_ =	shalt  }
0x5c: {  	_ =	shalt  }
0x5d: {  	_ =	shalt  }
0x5e: {  	_ =	shalt  }
0x5f: {  	_ =	shalt  }
0x60: {  	_ =	shalt  }
0x61: {  	_ =	shalt  }
0x62: {  	_ =	shalt  }
0x63: {  	_ =	shalt  }
0x64: {  	_ =	shalt  }
0x65: {  	_ =	shalt  }
0x66: {  	_ =	shalt  }
0x67: {  	_ =	shalt  }
0x68: {  	_ =	shalt  }
0x69: {  	_ =	shalt  }
0x6a: {  	_ =	shalt  }
0x6b: {  	_ =	shalt  }
0x6c: {  	_ =	shalt  }
0x6d: {  	_ =	shalt  }
0x6e: {  	_ =	shalt  }
0x6f: {  	_ =	shalt  }
0x70: {  	_ =	shalt  }
0x71: {  	_ =	shalt  }
0x72: {  	_ =	shalt  }
0x73: {  	_ =	shalt  }
0x74: {  	_ =	shalt  }
0x75: {  	_ =	shalt  }
0x76: {  	_ =	shalt  }
0x77: {  	_ =	shalt  }
0x78: {  	_ =	shalt  }
0x79: {  	_ =	shalt  }
0x7a: {  	_ =	shalt  }
0x7b: {  	_ =	shalt  }
0x7c: {  	_ =	shalt  }
0x7d: {  	_ =	shalt  }
0x7e: {  	_ =	shalt  }
0x7f: {  	_ =	shalt  }
0x80: {  	_ =	shalt  }
0x81: {  	_ =	shalt  }
0x82: {  	_ =	shalt  }
0x83: {  	_ =	shalt  }
0x84: {  	_ =	shalt  }
0x85: {  	_ =	shalt  }
0x86: {  	_ =	shalt  }
0x87: {  	_ =	shalt  }
.Lfunc_end0:
.L_simem_size_0:
called_computation_lowered:
.L_overlay_start_0:
0x88: {  	s2 =	sld [smem:$0x3FD9]  }
0x89: {  	s3 =	sld [smem:$0x3FFE];
	_ =	sdelay $0x1  }
0x8a: {  	s1 =	srdreg.scid  }
0x8b: {  	s0 =	sand.u32 $0x1, s1  }
0x8c: {  	s17 =	sshll.u32 s0, $0xA;
	s2 =	sadd.s32 s3, s2  }
0x8d: {  	s2 =	sadd.s32 s2, s17  }
0x8e: {  	[smem:$0x3FC5] =	sst s2  }
0x8f: {  	_ = 	snop  }
0x90: {  	s2 =	sld [smem:$0x3FC8]  }
0x91: {  	s18 =	sld [smem:$0x3FC7]  }
0x92: {  	s4 =	sld [smem:$0x3FD0];
	(tm) =	ssettm $0x1  }
0x93: {  	s5 =	sld [smem:$0x3FFB];
	_ =	sdelay $0x3  }
0x94: {  	_ =	strace s5  }
0x95: {  	s5 =	sld [smem:$0x3FFC];
	_ =	sdelay $0x3  }
0x96: {  	_ =	strace s5  }
0x97: {  	s5 =	sld [smem:$0x3FFD];
	_ =	sdelay $0x3  }
0x98: {  	_ =	strace s5  }
0x99: {  	_ =	strace $0x8FFFFFFF  }
0x9a: {  	s19 =	sld [smem:$0x3FDB];
	_ =	sdelay $0x1  }
0x9b: {  	s6 =	simm.s32 $_scs_section_size  }
0x9c: {  	s7 =	simm.s32 $_size__tile_overlayer_lowered;
	s8 =	simm.s32 $_tile_overlayer_lowered  }
0x9d: {  	s22 =	simm.s32 $0x1BFF;
	s21 =	sshll.u32 s8, $0x1;
	s5 =	sadd.s32 s6, s19  }
0x9e: {  	s9 =	simm.s32 $0x0;
	s20 =	sshll.u32 s7, $0x1;
	s7 =	sadd.s32 s21, s5  }
0x9f: {  	[timem:s9], [sflag:s22] =	dma.local [hbm:s7], s20  }
0xa0: {  	_ =	swait.ge [sflag:s22], s20  }
0xa1: {  	s6 =	ssub.s32 $0x0, s20;
	[sflag:s22] =	ssyncset.done $0x0  }
0xa2: {  	[sflag:s22] =	ssyncadd.s32 s6;
	_ =	sdelay $0x1  }
0xa3: {  	s23 =	simm.s32 $0x1B8B  }
0xa4: {  	_ =	swait.ge [sflag:s23], $0x1  }
0xa5: {  	[sflag:s23] =	ssyncset.done $0x0  }
0xa6: {  	s25 =	simm.s32 $0x1B8E;
	s24 =	sld [smem:$0x3FFE];
	[sflag:s23] =	ssyncadd.s32 $0xFFFFFFFF  }
0xa7: {  	s26 =	simm.s32 $execute0_lowered;
	[smem:$0x3FD2] =	sst s25  }
0xa8: {  	s7 =	sshll.u32 s26, $0x1;
	_ =	strace $0x80000046;
	[dreg:$0x1] =	wrdreg $0xFFFFFFFF  }
0xa9: {  	s28 =	simm.s32 $_size_execute0_lowered;
	s5 =	sadd.s32 s5, s7;
	[dreg:$0x0] =	wrdreg $0x0  }
0xaa: {  	s7 =	sshll.u32 s28, $0x1;
	[dreg:$0x2] =	wrdreg s5  }
0xab: {  	[dreg:$0x3] =	wrdreg s7  }
0xac: {  	[dreg:$0x4] =	wrdreg $0xC0  }
0xad: {  	_ =	task [dreg:s9], $0x5FFFF  }
0xae: {  	[dreg:$0x1] =	wrdreg $0xFFFFFFFF  }
0xaf: {  	[dreg:$0x0] =	wrdreg $0x60  }
0xb0: {  	[dreg:$0x2] =	wrdreg s24  }
0xb1: {  	[dreg:$0x3] =	wrdreg s2  }
0xb2: {  	[dreg:$0x4] =	wrdreg s18  }
0xb3: {  	[dreg:$0x5] =	wrdreg s4  }
0xb4: {  	[dreg:$0x6] =	wrdreg $0x0  }
0xb5: {  	[dreg:$0x7] =	wrdreg $0x9  }
0xb6: {  	_ =	task.clear_ibuf [dreg:s9], $0x8FFFF;
	_ =	strace $0x90000046  }
0xb7: {  	s29 =	simm.s32 $0x9;
	_ =	strace $0x80000048  }
0xb8: {  	_ =	swait.ge [sflag:s29], $0x1  }
0xb9: {  	[sflag:s29] =	ssyncadd.s32 $0xFFFFFFFF  }
0xba: {  	_ =	strace $0x90000048  }
0xbb: {  	_ =	sfence  }
0xbc: {  	s30 =	sld [smem:$0x0];
	_ =	sdelay $0x2  }
0xbd: {  	s31 =	sshll.u32 s1, $0xD;
	s1 =	sshrl.u32 s1, $0x2  }
0xbe: {  	s3 =	sand.u32 $0x4000, s31;
	s1 =	sadd.s32 s1, s30  }
0xbf: {  	s0 =	sor.u32 s3, s0;
	s1 =	sshll.u32 s1, $0x11  }
0xc0: {  	s0 =	sor.u32 s1, s0  }
0xc1: {  	s0 =	sadd.s32 $0x8F2B, s0  }
0xc2: {  	[sflag:s0] =	ssyncadd.remote.s32 $0x1  }
0xc3: {  	_ =	sfence.sel $0xFFFF  }
0xc4: {  	[dreg:$0x0] =	wrdreg $0xFFFFFFFF;
	(pc) =	sbr.abs _section_cstart, $3  }
0xc5: {  	[dreg:$0x1] =	wrdreg $0xFFFFFFFF  }
0xc6: {  	_ =	task.clear_ibuf [dreg:s9], $0x2FFFF;
	_ =	strace $0x9FFFFFFF  }
0xc7: {  	(tm) =	ssettm $0x7FFFFFFF  }
tec
execute0_lowered:
.L_overlay_start_1:
0x0: {  	(tag) =	ssettag $0x1  }
0x1: {  	s5 =	rddreg [dreg:$0x0]  }
0x2: {  	s8 =	rddreg [dreg:$0x1]  }
0x3: {  	s9 =	rddreg [dreg:$0x2]  }
0x4: {  	s1 =	rddreg [dreg:$0x3]  }
0x5: {  	s2 =	rddreg [dreg:$0x4];
	v0 =	vimm.s32 $0x7654321  }
0x6: {  	s4 =	simm.s32 $0x0;
	s3 =	stileid.u32;
	s7 =	srdreg.scid;
	v3 =	vimm.s32 $0x10765432;
	v4 =	vimm.s32 $0x21076543;
	v5 =	vimm.s32 $0x32107654  }
0x7: {  	v6 =	vimm.s32 $0x43210765;
	v7 =	vimm.s32 $0x54321076;
	s13 =	simm.s32 $0x7530;
	s14 =	simm.s32 $0x1;
	s15 =	simm.s32 $0x2  }
0x8: {  	v8 =	vimm.s32 $0x65432107;
	s16 =	simm.s32 $0x190;
	s17 =	simm.s32 $0x9C40;
	s18 =	simm.s32 $0xCE40;
	v2 =	vunpack.c.l.s4.s8 v0;
	v0 =	vlaneseq.u32  }
0x9: {  	s19 =	simm.s32 $0x16440;
	s20 =	simm.s32 $0x10040;
	s21 =	simm.s32 $0x13240;
	v3 =	vunpack.c.l.s4.s8 v3;
	v4 =	vunpack.c.l.s4.s8 v4;
	v5 =	vunpack.c.l.s4.s8 v5  }
0xa: {  	s22 =	simm.s32 $0x165D0;
	s23 =	simm.s32 $0x3;
	s24 =	simm.s32 $0x4;
	v6 =	vunpack.c.l.s4.s8 v6;
	v7 =	vunpack.c.l.s4.s8 v7;
	v8 =	vunpack.c.l.s4.s8 v8  }
0xb: {  	s25 =	simm.s32 $0x0;
	[smem:$0x7FF] =	sst s4;
	s6 =	smul.u32 $0x4E20, s3;
	v1 =	vmul.u32 $0x20, v0;
	v9 =	vand.u32 $0x7, v0;
	v10 =	vadd.s32 $0x1, v0  }
0xc: {  	s7 =	sand.u32 $0x1, s7;
	s10 =	sshll.u32 s3, $0x1;
	s30 =	sshll.u32 s3, $0x6;
	v11 =	vadd.s32 $0x2, v0;
	v12 =	vadd.s32 $0x3, v0;
	v13 =	vadd.s32 $0x4, v0  }
0xd: {  	_ =	strace $0x80000047;
	s12 =	ssub.s32 $0x2, s7;
	s7 =	sor.u32 s7, s10;
	v14 =	vadd.s32 $0x5, v0;
	v15 =	vadd.s32 $0x6, v0;
	v16 =	vadd.s32 $0x7, v0  }
.Ltmp0:
0xe: {  	v17 =	vadd.s32 $0x8, v0;
	v18 =	vadd.s32 $0x9, v0;
	v19 =	vadd.s32 $0xA, v0;
	s11 =	sshrl.u32 s6, $0x3;
	s28 =	sshrl.u32 s12, $0x1;
	(pc) =	sbr.rel .LBB2_1-.Ltmp0, $4  }
0xf: {  	v20 =	vadd.s32 $0xB, v0;
	v21 =	vadd.s32 $0xC, v0;
	v22 =	vadd.s32 $0xD, v0;
	s29 =	sadd.s32 s6, s2;
	s26 =	sadd.s32 s11, s5;
	s5 =	smul.u32 $0x2710, s7  }
0x10: {  	v23 =	vadd.s32 $0xE, v0;
	v24 =	vadd.s32 $0xF, v0;
	v2 =	vunpack.c.0.s8.s32 v2;
	s11 =	ssub.s32 s12, s28;
	s7 =	sor.u32 $0x1C01, s30;
	s12 =	simm.s32 $0x4E20  }
0x11: {  	v3 =	vunpack.c.0.s8.s32 v3;
	v4 =	vunpack.c.0.s8.s32 v4;
	v5 =	vunpack.c.0.s8.s32 v5;
	s6 =	sadd.s32 $0x400, s26;
	s10 =	smax.u32 s11, $0x1;
	s31 =	sshrl.u32 s5, $0x3  }
0x12: {  	v6 =	vunpack.c.0.s8.s32 v6;
	v7 =	vunpack.c.0.s8.s32 v7;
	v8 =	vunpack.c.0.s8.s32 v8;
	s11 =	sshrl.u32 s29, $0x3;
	s8 =	sadd.s32 s8, s31;
	s9 =	sadd.s32 s9, s31  }
.LBB2_13:
0x13: {  	s25 =	sadd.s32 $0x1, s25  }
0x14: {  	_ =	swait.ge [sflag:s23], $0x190;
	p0 =	sne.s32 s25, s10  }
.Ltmp1:
0x15: {  	[sflag:s23] =	ssyncset.done $0x0;
	(pc) =	sbr.rel @!p0 .LBB2_14-.Ltmp1, $4  }
0x16: {  	[sflag:s23] =	ssyncadd.s32 $0xFFFFFE70  }
0x17: {  	_ =	swait.ge [sflag:s24], $0x190  }
0x18: {  	[sflag:s24] =	ssyncset.done $0x0  }
0x19: {  	[sflag:s24] =	ssyncadd.s32 $0xFFFFFE70  }
.LBB2_1:
0x1a: {  	[spmem:s11], [sflag:s7] =	dma.local [hbm:s6], $0x9C4  }
0x1b: {  	[tilespmem:s12], [sflag:$0x2] =	stream.linear.gather [hbm4b:s8+s4], $0x2710, $0x38;
	[tilespmem:$0x16760] =	vst v63  }
0x1c: {  	_ = 	snop  }
0x1d: {  	[tilespmem:s13], [sflag:$0x2] =	stream.linear.gather [hbm4b:s9+s4], $0x2710, $0x38;
	[tilespmem:$0x16760] =	vst v63  }
0x1e: {  	_ =	swait.ge [sflag:s14], $0x9C4  }
0x1f: {  	[sflag:s14] =	ssyncset.done $0x0  }
0x20: {  	[sflag:s14] =	ssyncadd.s32 $0xFFFFF63C  }
0x21: {  	_ =	swait.ge [sflag:s15], $0x2710  }
0x22: {  	[sflag:s15] =	ssyncset.done $0x0  }
0x23: {  	[sflag:s15] =	ssyncadd.s32 $0xFFFFD8F0  }
0x24: {  	_ =	swait.ge [sflag:s15], $0x2710  }
0x25: {  	[sflag:s15] =	ssyncset.done $0x0  }
.Ltmp2:
0x26: {  	[sflag:s15] =	ssyncadd.s32 $0xFFFFD8F0;
	(pc) =	sbr.rel .LBB2_2-.Ltmp2, $4  }
0x27: {  	[bflag:$0x0] =	sbarrier.arrive $0xFFFF  }
0x28: {  	[tilespmem:s17], [sflag:$0x1] =	stream.indirect.gather [spmem:s2], $0x20, s12, s16, $0xb8;
	[tilespmem:$0x16760] =	vst v63  }
0x29: {  	s26 =	simm.s32 $0x0  }
0x2a: {  	[tilespmem:s18], [sflag:$0x1] =	stream.indirect.gather [spmem:s2], $0x20, s13, s16, $0xb8;
	[tilespmem:$0x16760] =	vst v63  }
.LBB2_12:
0x2b: {  	s26 =	sadd.s32 $0x1, s26  }
0x2c: {  	p0 =	sne.s32 s26, $0xD  }
.Ltmp3:
0x2d: {  	_ = 	snop;
	(pc) =	sbr.rel @!p0 .LBB2_13-.Ltmp3, $1  }
0x2e: {  	_ =	sdelay $0x3  }
.LBB2_2:
0x2f: {  	s28 =	sshllo.u32 s26, $0x1  }
0x30: {  	p1 =	sgt.u32 s28, $0x18  }
0x31: {  	s29 =	smul.u32 @!p1 $0x190, s28;
	_ =	sdelay $0x1  }
0x32: {  	s31 =	simm.s32 @!p1 $0x190;
	s0 =	simm.s32 @!p1 $0x10040;
	s30 =	sadd.s32 @!p1 $0x4E20, s29  }
0x33: {  	[tilespmem:s0], [sflag:$0x2] =	stream.indirect.gather @!p1 [spmem:s2], $0x20, s30, s31, $0xb8;
	[tilespmem:$0x16760] =	vst v63  }
0x34: {  	s0 =	sadd.s32 @!p1 $0x7530, s29;
	s29 =	simm.s32 @!p1 $0x13240  }
0x35: {  	[tilespmem:s29], [sflag:$0x2] =	stream.indirect.gather @!p1 [spmem:s2], $0x20, s0, s31, $0xb8;
	[tilespmem:$0x16760] =	vst v63  }
0x36: {  	_ =	swait.ge [sflag:s14], $0x3200  }
0x37: {  	[sflag:s14] =	ssyncset.done $0x0  }
0x38: {  	[sflag:s14] =	ssyncadd.s32 $0xFFFFCE00  }
0x39: {  	_ =	swait.ge [sflag:s14], $0x3200  }
0x3a: {  	p0 =	seq.s32 s26, $0x0;
	[sflag:s14] =	ssyncset.done $0x0  }
0x3b: {  	s0 =	simm.s32 @!p0 $0x3;
	[sflag:s14] =	ssyncadd.s32 $0xFFFFCE00  }
0x3c: {  	_ =	swait.ge @!p0 [sflag:s0], $0x190  }
0x3d: {  	[sflag:s0] =	ssyncset.done @!p0 $0x0  }
0x3e: {  	s29 =	simm.s32 $0x0;
	[sflag:s0] =	ssyncadd.s32 @!p0 $0xFFFFFE70  }
.LBB2_3:
0x3f: {  	s30 =	sshll.u32 s29, $0x4  }
0x40: {  	v25 =	vmov s30  }
0x41: {  	v34 =	vimm.f32 $0.0e+00;
	v35 =	vimm.f32 $0.0e+00;
	v25 =	vshll.u32 v25, $0x5  }
0x42: {  	v36 =	vimm.f32 $0.0e+00;
	v37 =	vimm.f32 $0.0e+00;
	v33 =	vor.u32 v1, v25  }
0x43: {  	v25 =	vor.u32 v0, v33;
	v26 =	vor.u32 v2, v33;
	v27 =	vor.u32 v3, v33  }
0x44: {  	v28 =	vor.u32 v4, v33;
	v29 =	vor.u32 v5, v33;
	v30 =	vor.u32 v6, v33  }
0x45: {  	p2 =	por $0x1, $0x1;
	s31 =	simm.s32 $0x0;
	v31 =	vor.u32 v7, v33;
	v32 =	vor.u32 v8, v33;
	v33 =	vor.u32 v9, v33  }
.LBB2_4:
0x46: {  	v38 =	vor.u32 s31, v25;
	v39 =	vadd.s32 s31, v10  }
0x47: {  	v39 =	vand.u32 $0x18, v39  }
0x48: {  	v41 =	vadd.s32 s31, v11;
	v39 =	vor.u32 v39, v26  }
0x49: {  	v41 =	vand.u32 $0x18, v41  }
0x4a: {  	v43 =	vadd.s32 s31, v12;
	v41 =	vor.u32 v41, v27  }
0x4b: {  	v43 =	vand.u32 $0x18, v43;
	v40 =	vld.idx.msk [tilespmem:v38+s17+$0x0], $0xffff  }
0x4c: {  	v43 =	vor.u32 v43, v28;
	v38 =	vld.idx.msk [tilespmem:v38+s18+$0x0], $0xffff  }
0x4d: {  	v42 =	vld.idx.msk [tilespmem:v39+s17+$0x0], $0xffff  }
0x4e: {  	v46 =	vadd.s32 s31, v13;
	v39 =	vld.idx.msk [tilespmem:v39+s18+$0x0], $0xffff  }
0x4f: {  	v62 =	vadd.s32 s31, v14;
	v48 =	vadd.s32 s31, v15;
	v49 =	vadd.s32 s31, v17;
	v54 =	vld.idx.msk [tilespmem:v41+s17+$0x0], $0xffff  }
0x50: {  	v55 =	vand.u32 $0x18, v46;
	v46 =	vand.u32 $0x18, v62;
	v52 =	vand.u32 $0x18, v48;
	v41 =	vld.idx.msk [tilespmem:v41+s18+$0x0], $0xffff  }
0x51: {  	v46 =	vor.u32 v46, v30;
	v53 =	vor.u32 v52, v31;
	v60 =	vld.idx.msk [tilespmem:v43+s17+$0x0], $0xffff;
	v44 =	vunpack.i.l.bf16.f32 v40  }
0x52: {  	v45 =	vunpack.i.l.bf16.f32 v38;
	v40 =	vunpack.i.u.bf16.f32 v40;
	v38 =	vunpack.i.u.bf16.f32 v38  }
0x53: {  	v44 =	vmul.f32 v45, v44;
	v38 =	vmul.f32 v38, v40;
	v56 =	vunpack.i.u.bf16.f32 v42  }
0x54: {  	v43 =	vld.idx.msk [tilespmem:v43+s18+$0x0], $0xffff;
	v42 =	vunpack.i.l.bf16.f32 v42;
	v57 =	vunpack.i.u.bf16.f32 v39;
	v39 =	vunpack.i.l.bf16.f32 v39  }
0x55: {  	v61 =	vunpack.i.u.bf16.f32 v54;
	v45 =	vunpack.i.l.bf16.f32 v54;
	v47 =	vunpack.i.u.bf16.f32 v41  }
0x56: {  	v41 =	vunpack.i.l.bf16.f32 v41;
	v54 =	vunpack.i.l.bf16.f32 v60;
	v40 =	vunpack.i.u.bf16.f32 v60  }
0x57: {  	v60 =	vld.idx.msk [tilespmem:v53+s17+$0x0], $0xffff;
	v37 =	vadd.f32 v44, v37;
	v44 =	vor.u32 v55, v29;
	v58 =	vmul.f32 v39, v42  }
0x58: {  	v36 =	vadd.f32 v38, v36;
	v59 =	vmul.f32 v57, v56;
	v41 =	vmul.f32 v41, v45;
	v57 =	vld.idx.msk [tilespmem:v46+s17+$0x0], $0xffff  }
0x59: {  	v50 =	vmul.f32 v47, v61;
	v55 =	vunpack.i.l.bf16.f32 v43;
	v43 =	vunpack.i.u.bf16.f32 v43;
	v46 =	vld.idx.msk [tilespmem:v46+s18+$0x0], $0xffff  }
0x5a: {  	v39 =	vld.idx.msk [tilespmem:v53+s18+$0x0], $0xffff;
	v61 =	vand.u32 $0x18, v49;
	v38 =	vmul.f32 v55, v54;
	v40 =	vmul.f32 v43, v40  }
0x5b: {  	v62 =	vor.u32 v61, v33;
	v35 =	vadd.f32 v58, v35;
	v34 =	vadd.f32 v59, v34  }
0x5c: {  	v61 =	vadd.s32 s31, v20;
	v37 =	vadd.f32 v41, v37;
	v36 =	vadd.f32 v50, v36;
	v63 =	vld.idx.msk [tilespmem:v44+s17+$0x0], $0xffff  }
0x5d: {  	v58 =	vadd.s32 s31, v16;
	v35 =	vadd.f32 v38, v35;
	v34 =	vadd.f32 v40, v34;
	v51 =	vld.idx.msk [tilespmem:v44+s18+$0x0], $0xffff  }
0x5e: {  	v52 =	vunpack.i.l.bf16.f32 v60;
	v44 =	vand.u32 $0x18, v58;
	v47 =	vunpack.i.u.bf16.f32 v46  }
0x5f: {  	v49 =	vunpack.i.l.bf16.f32 v46;
	v53 =	vunpack.i.l.bf16.f32 v39;
	v39 =	vunpack.i.u.bf16.f32 v39  }
0x60: {  	v46 =	vand.u32 $0x18, v61;
	v61 =	vadd.s32 s31, v23;
	v44 =	vor.u32 v44, v32;
	v55 =	vld.idx.msk [tilespmem:v62+s17+$0x0], $0xffff  }
0x61: {  	v54 =	vmul.f32 v53, v52;
	v38 =	vld.idx.msk [tilespmem:v62+s18+$0x0], $0xffff;
	v46 =	vor.u32 v46, v28;
	v56 =	vunpack.i.u.bf16.f32 v63  }
0x62: {  	v45 =	vunpack.i.l.bf16.f32 v63;
	v59 =	vunpack.i.u.bf16.f32 v51;
	v42 =	vunpack.i.l.bf16.f32 v51  }
0x63: {  	v63 =	vunpack.i.u.bf16.f32 v57;
	v51 =	vadd.s32 s31, v18;
	v42 =	vmul.f32 v42, v45  }
0x64: {  	v41 =	vmul.f32 v59, v56;
	v45 =	vunpack.i.l.bf16.f32 v57;
	v40 =	vmul.f32 v47, v63  }
0x65: {  	v43 =	vand.u32 $0x18, v51;
	v56 =	vunpack.i.u.bf16.f32 v60;
	v57 =	vadd.s32 s31, v19  }
0x66: {  	v50 =	vld.idx.msk [tilespmem:v44+s17+$0x0], $0xffff;
	v62 =	vunpack.i.l.bf16.f32 v55;
	v63 =	vunpack.i.l.bf16.f32 v38;
	v38 =	vunpack.i.u.bf16.f32 v38  }
0x67: {  	v44 =	vld.idx.msk [tilespmem:v44+s18+$0x0], $0xffff;
	v51 =	vadd.s32 s31, v21;
	v47 =	vand.u32 $0x18, v61;
	v43 =	vor.u32 v43, v26  }
0x68: {  	v39 =	vmul.f32 v39, v56;
	v48 =	vmul.f32 v63, v62;
	v36 =	vadd.f32 v41, v36  }
0x69: {  	v41 =	vmul.f32 v49, v45;
	v34 =	vadd.f32 v40, v34;
	v40 =	vand.u32 $0x18, v57  }
0x6a: {  	v56 =	vld.idx.msk [tilespmem:v46+s17+$0x0], $0xffff;
	v63 =	vor.u32 v47, v31;
	v49 =	vunpack.i.u.bf16.f32 v55;
	v40 =	vor.u32 v40, v27  }
0x6b: {  	v46 =	vld.idx.msk [tilespmem:v46+s18+$0x0], $0xffff;
	v37 =	vadd.f32 v42, v37;
	v38 =	vmul.f32 v38, v49;
	v35 =	vadd.f32 v41, v35  }
0x6c: {  	v42 =	vunpack.i.l.bf16.f32 v50;
	v59 =	vunpack.i.u.bf16.f32 v44;
	v44 =	vunpack.i.l.bf16.f32 v44;
	v60 =	vld.idx.msk [tilespmem:v43+s17+$0x0], $0xffff  }
0x6d: {  	v37 =	vadd.f32 v54, v37;
	v54 =	vadd.s32 s31, v22;
	v42 =	vmul.f32 v44, v42;
	v43 =	vld.idx.msk [tilespmem:v43+s18+$0x0], $0xffff  }
0x6e: {  	v36 =	vadd.f32 v39, v36;
	v58 =	vunpack.i.u.bf16.f32 v50;
	v57 =	vand.u32 $0x18, v54  }
0x6f: {  	v45 =	vor.u32 v57, v30;
	v35 =	vadd.f32 v42, v35;
	v50 =	vld.idx.msk [tilespmem:v40+s17+$0x0], $0xffff;
	v42 =	vand.u32 $0x18, v51  }
0x70: {  	v41 =	vmul.f32 v59, v58;
	v37 =	vadd.f32 v48, v37;
	v61 =	vld.idx.msk [tilespmem:v63+s17+$0x0], $0xffff;
	v42 =	vor.u32 v42, v29  }
0x71: {  	v36 =	vadd.f32 v38, v36;
	v54 =	vunpack.i.l.bf16.f32 v46;
	v57 =	vunpack.i.u.bf16.f32 v46;
	v40 =	vld.idx.msk [tilespmem:v40+s18+$0x0], $0xffff  }
0x72: {  	v34 =	vadd.f32 v41, v34;
	v52 =	vunpack.i.l.bf16.f32 v60;
	v53 =	vunpack.i.l.bf16.f32 v43  }
0x73: {  	v44 =	vunpack.i.u.bf16.f32 v60;
	v43 =	vunpack.i.u.bf16.f32 v43;
	v55 =	vmul.f32 v53, v52  }
0x74: {  	v52 =	vadd.s32 s31, v24;
	v59 =	vunpack.i.u.bf16.f32 v50;
	v39 =	vunpack.i.l.bf16.f32 v50;
	v50 =	vld.idx.msk [tilespmem:v45+s17+$0x0], $0xffff  }
0x75: {  	v41 =	vunpack.i.l.bf16.f32 v61;
	v58 =	vmul.f32 v43, v44;
	v47 =	vand.u32 $0x18, v52;
	v62 =	vld.idx.msk [tilespmem:v42+s17+$0x0], $0xffff  }
0x76: {  	v53 =	vunpack.i.l.bf16.f32 v56;
	v60 =	vunpack.i.l.bf16.f32 v40;
	v45 =	vld.idx.msk [tilespmem:v45+s18+$0x0], $0xffff;
	v47 =	vor.u32 v47, v32  }
0x77: {  	v56 =	vunpack.i.u.bf16.f32 v56;
	v40 =	vunpack.i.u.bf16.f32 v40;
	v39 =	vmul.f32 v60, v39;
	v42 =	vld.idx.msk [tilespmem:v42+s18+$0x0], $0xffff  }
0x78: {  	v35 =	vadd.f32 v55, v35;
	v40 =	vmul.f32 v40, v59;
	v34 =	vadd.f32 v58, v34  }
0x79: {  	v55 =	vmul.f32 v54, v53;
	v58 =	vmul.f32 v57, v56;
	v37 =	vadd.f32 v39, v37  }
0x7a: {  	v36 =	vadd.f32 v40, v36;
	v59 =	vunpack.i.l.bf16.f32 v62;
	v44 =	vunpack.i.u.bf16.f32 v62;
	v62 =	vld.idx.msk [tilespmem:v63+s18+$0x0], $0xffff  }
0x7b: {  	v56 =	vunpack.i.u.bf16.f32 v61;
	v35 =	vadd.f32 v55, v35;
	v34 =	vadd.f32 v58, v34;
	v49 =	vld.idx.msk [tilespmem:v47+s17+$0x0], $0xffff  }
0x7c: {  	v53 =	vunpack.i.u.bf16.f32 v50;
	v54 =	vunpack.i.u.bf16.f32 v45;
	v60 =	vunpack.i.l.bf16.f32 v42;
	v52 =	vld.idx.msk [tilespmem:v47+s18+$0x0], $0xffff  }
0x7d: {  	v42 =	vunpack.i.u.bf16.f32 v42;
	v55 =	vmul.f32 v54, v53;
	v39 =	vmul.f32 v60, v59  }
0x7e: {  	v48 =	vunpack.i.l.bf16.f32 v45;
	v63 =	vunpack.i.l.bf16.f32 v50;
	v42 =	vmul.f32 v42, v44  }
0x7f: {  	v51 =	vmul.f32 v48, v63;
	v34 =	vadd.f32 v55, v34;
	v37 =	vadd.f32 v39, v37  }
0x80: {  	p3 =	por p2, p2;
	v36 =	vadd.f32 v42, v36;
	v57 =	vunpack.i.u.bf16.f32 v62;
	v40 =	vunpack.i.l.bf16.f32 v62  }
.Ltmp4:
0x81: {  	v59 =	vunpack.i.u.bf16.f32 v49;
	v60 =	vunpack.i.l.bf16.f32 v49;
	v61 =	vunpack.i.u.bf16.f32 v52;
	(pc) =	sbr.rel @p3 .LBB2_4-.Ltmp4, $4  }
0x82: {  	v39 =	vunpack.i.l.bf16.f32 v52;
	v40 =	vmul.f32 v40, v41;
	v58 =	vmul.f32 v57, v56  }
0x83: {  	v35 =	vadd.f32 v51, v35;
	v62 =	vmul.f32 v39, v60;
	v63 =	vmul.f32 v61, v59  }
0x84: {  	v37 =	vadd.f32 v40, v37;
	v36 =	vadd.f32 v58, v36  }
0x85: {  	p2 =	por $0x0, $0x0;
	s31 =	simm.s32 $0x10;
	v35 =	vadd.f32 v62, v35;
	v34 =	vadd.f32 v63, v34  }
0x86: {  	s29 =	sadd.s32 $0x1, s29  }
0x87: {  	v25 =	vadd.f32 v36, v37;
	v26 =	vadd.f32 v34, v35;
	p2 =	sne.s32 s29, $0x19  }
.Ltmp5:
0x88: {  	_ = 	snop;
	(pc) =	sbr.rel @p2 .LBB2_3-.Ltmp5, $3  }
0x89: {  	v25 =	vadd.f32 v26, v25;
	_ =	sdelay $0x1  }
0x8a: {  	v25 =	vmax.f32 v25, $0.0e+00  }
0x8b: {  	[tilespmem:s30+$0x16440] =	vst v25  }
0x8c: {  	s29 =	smul.u32 $0x320, s26  }
.Ltmp6:
0x8d: {  	_ = 	snop;
	(pc) =	sbr.rel @p1 .LBB2_12-.Ltmp6, $4  }
0x8e: {  	s0 =	sadd.s32 s5, s29  }
0x8f: {  	s0 =	sshrl.u32 s0, $0x3  }
0x90: {  	s0 =	sadd.s32 s1, s0  }
0x91: {  	[hbm4b:s0+s4] =	stream.linear.scatter [tilespmem:s19], [sflag:$0x3], $0x190, $0x38;
	[tilespmem:$0x16760] =	vst v63  }
0x92: {  	s0 =	sadd.s32 $0x5140, s29  }
0x93: {  	[tilespmem:s17], [sflag:$0x1] =	stream.indirect.gather [spmem:s2], $0x20, s0, s16, $0xb8;
	[tilespmem:$0x16760] =	vst v63  }
0x94: {  	s31 =	sadd.s32 $0x7850, s29  }
0x95: {  	[tilespmem:s18], [sflag:$0x1] =	stream.indirect.gather [spmem:s2], $0x20, s31, s16, $0xb8;
	[tilespmem:$0x16760] =	vst v63  }
0x96: {  	_ =	swait.ge [sflag:s15], $0x3200  }
0x97: {  	[sflag:s15] =	ssyncset.done $0x0  }
0x98: {  	[sflag:s15] =	ssyncadd.s32 $0xFFFFCE00  }
0x99: {  	_ =	swait.ge [sflag:s15], $0x3200  }
0x9a: {  	[sflag:s15] =	ssyncset.done $0x0  }
0x9b: {  	s0 =	simm.s32 @!p0 $0x4;
	[sflag:s15] =	ssyncadd.s32 $0xFFFFCE00  }
0x9c: {  	_ =	swait.ge @!p0 [sflag:s0], $0x190  }
0x9d: {  	[sflag:s0] =	ssyncset.done @!p0 $0x0  }
0x9e: {  	s29 =	simm.s32 $0x0;
	[sflag:s0] =	ssyncadd.s32 @!p0 $0xFFFFFE70  }
.LBB2_8:
0x9f: {  	s30 =	sshll.u32 s29, $0x4  }
0xa0: {  	v25 =	vmov s30  }
0xa1: {  	v34 =	vimm.f32 $0.0e+00;
	v35 =	vimm.f32 $0.0e+00;
	v25 =	vshll.u32 v25, $0x5  }
0xa2: {  	v36 =	vimm.f32 $0.0e+00;
	v37 =	vimm.f32 $0.0e+00;
	v33 =	vor.u32 v1, v25  }
0xa3: {  	v25 =	vor.u32 v0, v33;
	v26 =	vor.u32 v2, v33;
	v27 =	vor.u32 v3, v33  }
0xa4: {  	v28 =	vor.u32 v4, v33;
	v29 =	vor.u32 v5, v33;
	v30 =	vor.u32 v6, v33  }
0xa5: {  	p0 =	por $0x1, $0x1;
	s31 =	simm.s32 $0x0;
	v31 =	vor.u32 v7, v33;
	v32 =	vor.u32 v8, v33;
	v33 =	vor.u32 v9, v33  }
.LBB2_9:
0xa6: {  	v38 =	vor.u32 s31, v25;
	v39 =	vadd.s32 s31, v10  }
0xa7: {  	v39 =	vand.u32 $0x18, v39  }
0xa8: {  	v41 =	vadd.s32 s31, v11;
	v39 =	vor.u32 v39, v26  }
0xa9: {  	v41 =	vand.u32 $0x18, v41  }
0xaa: {  	v43 =	vadd.s32 s31, v12;
	v41 =	vor.u32 v41, v27  }
0xab: {  	v43 =	vand.u32 $0x18, v43;
	v40 =	vld.idx.msk [tilespmem:v38+s20+$0x0], $0xffff  }
0xac: {  	v43 =	vor.u32 v43, v28;
	v38 =	vld.idx.msk [tilespmem:v38+s21+$0x0], $0xffff  }
0xad: {  	v42 =	vld.idx.msk [tilespmem:v39+s20+$0x0], $0xffff  }
0xae: {  	v46 =	vadd.s32 s31, v13;
	v39 =	vld.idx.msk [tilespmem:v39+s21+$0x0], $0xffff  }
0xaf: {  	v62 =	vadd.s32 s31, v14;
	v48 =	vadd.s32 s31, v15;
	v49 =	vadd.s32 s31, v17;
	v54 =	vld.idx.msk [tilespmem:v41+s20+$0x0], $0xffff  }
0xb0: {  	v55 =	vand.u32 $0x18, v46;
	v46 =	vand.u32 $0x18, v62;
	v52 =	vand.u32 $0x18, v48;
	v41 =	vld.idx.msk [tilespmem:v41+s21+$0x0], $0xffff  }
0xb1: {  	v46 =	vor.u32 v46, v30;
	v53 =	vor.u32 v52, v31;
	v60 =	vld.idx.msk [tilespmem:v43+s20+$0x0], $0xffff;
	v44 =	vunpack.i.l.bf16.f32 v40  }
0xb2: {  	v45 =	vunpack.i.l.bf16.f32 v38;
	v40 =	vunpack.i.u.bf16.f32 v40;
	v38 =	vunpack.i.u.bf16.f32 v38  }
0xb3: {  	v44 =	vmul.f32 v45, v44;
	v38 =	vmul.f32 v38, v40;
	v56 =	vunpack.i.u.bf16.f32 v42  }
0xb4: {  	v43 =	vld.idx.msk [tilespmem:v43+s21+$0x0], $0xffff;
	v42 =	vunpack.i.l.bf16.f32 v42;
	v57 =	vunpack.i.u.bf16.f32 v39;
	v39 =	vunpack.i.l.bf16.f32 v39  }
0xb5: {  	v61 =	vunpack.i.u.bf16.f32 v54;
	v45 =	vunpack.i.l.bf16.f32 v54;
	v47 =	vunpack.i.u.bf16.f32 v41  }
0xb6: {  	v41 =	vunpack.i.l.bf16.f32 v41;
	v54 =	vunpack.i.l.bf16.f32 v60;
	v40 =	vunpack.i.u.bf16.f32 v60  }
0xb7: {  	v60 =	vld.idx.msk [tilespmem:v53+s20+$0x0], $0xffff;
	v37 =	vadd.f32 v44, v37;
	v44 =	vor.u32 v55, v29;
	v58 =	vmul.f32 v39, v42  }
0xb8: {  	v36 =	vadd.f32 v38, v36;
	v59 =	vmul.f32 v57, v56;
	v41 =	vmul.f32 v41, v45;
	v57 =	vld.idx.msk [tilespmem:v46+s20+$0x0], $0xffff  }
0xb9: {  	v50 =	vmul.f32 v47, v61;
	v55 =	vunpack.i.l.bf16.f32 v43;
	v43 =	vunpack.i.u.bf16.f32 v43;
	v46 =	vld.idx.msk [tilespmem:v46+s21+$0x0], $0xffff  }
0xba: {  	v39 =	vld.idx.msk [tilespmem:v53+s21+$0x0], $0xffff;
	v61 =	vand.u32 $0x18, v49;
	v38 =	vmul.f32 v55, v54;
	v40 =	vmul.f32 v43, v40  }
0xbb: {  	v62 =	vor.u32 v61, v33;
	v35 =	vadd.f32 v58, v35;
	v34 =	vadd.f32 v59, v34  }
0xbc: {  	v61 =	vadd.s32 s31, v20;
	v37 =	vadd.f32 v41, v37;
	v36 =	vadd.f32 v50, v36;
	v63 =	vld.idx.msk [tilespmem:v44+s20+$0x0], $0xffff  }
0xbd: {  	v58 =	vadd.s32 s31, v16;
	v35 =	vadd.f32 v38, v35;
	v34 =	vadd.f32 v40, v34;
	v51 =	vld.idx.msk [tilespmem:v44+s21+$0x0], $0xffff  }
0xbe: {  	v52 =	vunpack.i.l.bf16.f32 v60;
	v44 =	vand.u32 $0x18, v58;
	v47 =	vunpack.i.u.bf16.f32 v46  }
0xbf: {  	v49 =	vunpack.i.l.bf16.f32 v46;
	v53 =	vunpack.i.l.bf16.f32 v39;
	v39 =	vunpack.i.u.bf16.f32 v39  }
0xc0: {  	v46 =	vand.u32 $0x18, v61;
	v61 =	vadd.s32 s31, v23;
	v44 =	vor.u32 v44, v32;
	v55 =	vld.idx.msk [tilespmem:v62+s20+$0x0], $0xffff  }
0xc1: {  	v54 =	vmul.f32 v53, v52;
	v38 =	vld.idx.msk [tilespmem:v62+s21+$0x0], $0xffff;
	v46 =	vor.u32 v46, v28;
	v56 =	vunpack.i.u.bf16.f32 v63  }
0xc2: {  	v45 =	vunpack.i.l.bf16.f32 v63;
	v59 =	vunpack.i.u.bf16.f32 v51;
	v42 =	vunpack.i.l.bf16.f32 v51  }
0xc3: {  	v63 =	vunpack.i.u.bf16.f32 v57;
	v51 =	vadd.s32 s31, v18;
	v42 =	vmul.f32 v42, v45  }
0xc4: {  	v41 =	vmul.f32 v59, v56;
	v45 =	vunpack.i.l.bf16.f32 v57;
	v40 =	vmul.f32 v47, v63  }
0xc5: {  	v43 =	vand.u32 $0x18, v51;
	v56 =	vunpack.i.u.bf16.f32 v60;
	v57 =	vadd.s32 s31, v19  }
0xc6: {  	v50 =	vld.idx.msk [tilespmem:v44+s20+$0x0], $0xffff;
	v62 =	vunpack.i.l.bf16.f32 v55;
	v63 =	vunpack.i.l.bf16.f32 v38;
	v38 =	vunpack.i.u.bf16.f32 v38  }
0xc7: {  	v44 =	vld.idx.msk [tilespmem:v44+s21+$0x0], $0xffff;
	v51 =	vadd.s32 s31, v21;
	v47 =	vand.u32 $0x18, v61;
	v43 =	vor.u32 v43, v26  }
0xc8: {  	v39 =	vmul.f32 v39, v56;
	v48 =	vmul.f32 v63, v62;
	v36 =	vadd.f32 v41, v36  }
0xc9: {  	v41 =	vmul.f32 v49, v45;
	v34 =	vadd.f32 v40, v34;
	v40 =	vand.u32 $0x18, v57  }
0xca: {  	v56 =	vld.idx.msk [tilespmem:v46+s20+$0x0], $0xffff;
	v63 =	vor.u32 v47, v31;
	v49 =	vunpack.i.u.bf16.f32 v55;
	v40 =	vor.u32 v40, v27  }
0xcb: {  	v46 =	vld.idx.msk [tilespmem:v46+s21+$0x0], $0xffff;
	v37 =	vadd.f32 v42, v37;
	v38 =	vmul.f32 v38, v49;
	v35 =	vadd.f32 v41, v35  }
0xcc: {  	v42 =	vunpack.i.l.bf16.f32 v50;
	v59 =	vunpack.i.u.bf16.f32 v44;
	v44 =	vunpack.i.l.bf16.f32 v44;
	v60 =	vld.idx.msk [tilespmem:v43+s20+$0x0], $0xffff  }
0xcd: {  	v37 =	vadd.f32 v54, v37;
	v54 =	vadd.s32 s31, v22;
	v42 =	vmul.f32 v44, v42;
	v43 =	vld.idx.msk [tilespmem:v43+s21+$0x0], $0xffff  }
0xce: {  	v36 =	vadd.f32 v39, v36;
	v58 =	vunpack.i.u.bf16.f32 v50;
	v57 =	vand.u32 $0x18, v54  }
0xcf: {  	v45 =	vor.u32 v57, v30;
	v35 =	vadd.f32 v42, v35;
	v50 =	vld.idx.msk [tilespmem:v40+s20+$0x0], $0xffff;
	v42 =	vand.u32 $0x18, v51  }
0xd0: {  	v41 =	vmul.f32 v59, v58;
	v37 =	vadd.f32 v48, v37;
	v61 =	vld.idx.msk [tilespmem:v63+s20+$0x0], $0xffff;
	v42 =	vor.u32 v42, v29  }
0xd1: {  	v36 =	vadd.f32 v38, v36;
	v54 =	vunpack.i.l.bf16.f32 v46;
	v57 =	vunpack.i.u.bf16.f32 v46;
	v40 =	vld.idx.msk [tilespmem:v40+s21+$0x0], $0xffff  }
0xd2: {  	v34 =	vadd.f32 v41, v34;
	v52 =	vunpack.i.l.bf16.f32 v60;
	v53 =	vunpack.i.l.bf16.f32 v43  }
0xd3: {  	v44 =	vunpack.i.u.bf16.f32 v60;
	v43 =	vunpack.i.u.bf16.f32 v43;
	v55 =	vmul.f32 v53, v52  }
0xd4: {  	v52 =	vadd.s32 s31, v24;
	v59 =	vunpack.i.u.bf16.f32 v50;
	v39 =	vunpack.i.l.bf16.f32 v50;
	v50 =	vld.idx.msk [tilespmem:v45+s20+$0x0], $0xffff  }
0xd5: {  	v41 =	vunpack.i.l.bf16.f32 v61;
	v58 =	vmul.f32 v43, v44;
	v47 =	vand.u32 $0x18, v52;
	v62 =	vld.idx.msk [tilespmem:v42+s20+$0x0], $0xffff  }
0xd6: {  	v53 =	vunpack.i.l.bf16.f32 v56;
	v60 =	vunpack.i.l.bf16.f32 v40;
	v45 =	vld.idx.msk [tilespmem:v45+s21+$0x0], $0xffff;
	v47 =	vor.u32 v47, v32  }
0xd7: {  	v56 =	vunpack.i.u.bf16.f32 v56;
	v40 =	vunpack.i.u.bf16.f32 v40;
	v39 =	vmul.f32 v60, v39;
	v42 =	vld.idx.msk [tilespmem:v42+s21+$0x0], $0xffff  }
0xd8: {  	v35 =	vadd.f32 v55, v35;
	v40 =	vmul.f32 v40, v59;
	v34 =	vadd.f32 v58, v34  }
0xd9: {  	v55 =	vmul.f32 v54, v53;
	v58 =	vmul.f32 v57, v56;
	v37 =	vadd.f32 v39, v37  }
0xda: {  	v36 =	vadd.f32 v40, v36;
	v59 =	vunpack.i.l.bf16.f32 v62;
	v44 =	vunpack.i.u.bf16.f32 v62;
	v62 =	vld.idx.msk [tilespmem:v63+s21+$0x0], $0xffff  }
0xdb: {  	v56 =	vunpack.i.u.bf16.f32 v61;
	v35 =	vadd.f32 v55, v35;
	v34 =	vadd.f32 v58, v34;
	v49 =	vld.idx.msk [tilespmem:v47+s20+$0x0], $0xffff  }
0xdc: {  	v53 =	vunpack.i.u.bf16.f32 v50;
	v54 =	vunpack.i.u.bf16.f32 v45;
	v60 =	vunpack.i.l.bf16.f32 v42;
	v52 =	vld.idx.msk [tilespmem:v47+s21+$0x0], $0xffff  }
0xdd: {  	v42 =	vunpack.i.u.bf16.f32 v42;
	v55 =	vmul.f32 v54, v53;
	v39 =	vmul.f32 v60, v59  }
0xde: {  	v48 =	vunpack.i.l.bf16.f32 v45;
	v63 =	vunpack.i.l.bf16.f32 v50;
	v42 =	vmul.f32 v42, v44  }
0xdf: {  	v51 =	vmul.f32 v48, v63;
	v34 =	vadd.f32 v55, v34;
	v37 =	vadd.f32 v39, v37  }
0xe0: {  	p1 =	por p0, p0;
	v36 =	vadd.f32 v42, v36;
	v57 =	vunpack.i.u.bf16.f32 v62;
	v40 =	vunpack.i.l.bf16.f32 v62  }
.Ltmp7:
0xe1: {  	v59 =	vunpack.i.u.bf16.f32 v49;
	v60 =	vunpack.i.l.bf16.f32 v49;
	v61 =	vunpack.i.u.bf16.f32 v52;
	(pc) =	sbr.rel @p1 .LBB2_9-.Ltmp7, $4  }
0xe2: {  	v39 =	vunpack.i.l.bf16.f32 v52;
	v40 =	vmul.f32 v40, v41;
	v58 =	vmul.f32 v57, v56  }
0xe3: {  	v35 =	vadd.f32 v51, v35;
	v62 =	vmul.f32 v39, v60;
	v63 =	vmul.f32 v61, v59  }
0xe4: {  	v37 =	vadd.f32 v40, v37;
	v36 =	vadd.f32 v58, v36  }
0xe5: {  	p0 =	por $0x0, $0x0;
	s31 =	simm.s32 $0x10;
	v35 =	vadd.f32 v62, v35;
	v34 =	vadd.f32 v63, v34  }
0xe6: {  	s29 =	sadd.s32 $0x1, s29  }
0xe7: {  	v25 =	vadd.f32 v36, v37;
	v26 =	vadd.f32 v34, v35;
	p0 =	sne.s32 s29, $0x19  }
.Ltmp8:
0xe8: {  	_ = 	snop;
	(pc) =	sbr.rel @p0 .LBB2_8-.Ltmp8, $3  }
0xe9: {  	v25 =	vadd.f32 v26, v25;
	_ =	sdelay $0x1  }
0xea: {  	v25 =	vmax.f32 v25, $0.0e+00  }
0xeb: {  	[tilespmem:s30+$0x165D0] =	vst v25  }
0xec: {  	s0 =	smul.u32 $0x190, s28  }
.Ltmp9:
0xed: {  	_ = 	snop;
	(pc) =	sbr.rel .LBB2_12-.Ltmp9, $4  }
0xee: {  	s0 =	sadd.s32 s5, s0  }
0xef: {  	s0 =	sshrl.u32 s0, $0x3  }
0xf0: {  	s0 =	sadd.s32 s1, s0  }
0xf1: {  	[hbm4b:s0+s4] =	stream.linear.scatter [tilespmem:s22], [sflag:$0x4], $0x190, $0x38;
	[tilespmem:$0x16760] =	vst v63  }
.LBB2_14:
0xf2: {  	_ =	sfence.sel $0x180000  }
0xf3: {  	[bflag:$0x0] =	sbarrier.arrive $0xFFFF  }
0xf4: {  	_ =	strace $0x90000047  }
0xf5: {  	[bflag:$0x2] =	sbarrier.arrive $0xFFFF  }
0xf6: {  	p0 =	sne.s32 s3, $0x0;
	s0 =	rddreg [dreg:$0x5]  }
0xf7: {  	s0 =	sadd.s32 @!p0 $0x100000, s0  }
0xf8: {  	[sflag:s0] =	ssyncadd.tile.s32 @!p0 $0x1;
	_ =	shalt  }
.Lfunc_end2:
_tile_overlayer_lowered:
.L_overlay_start_2:
0xf9: {  	(tag) =	ssettag $0x2  }
0xfa: {  	s0 =	rddreg [dreg:$0x0];
	s2 =	stileid.u32  }
0xfb: {  	s1 =	rddreg [dreg:$0x1];
	p0 =	sne.s32 s2, $0x0  }
0xfc: {  	s3 =	rddreg [dreg:$0x2];
	[bflag:$0x3] =	sbarrier.arrive $0xFFFF;
	s2 =	simm.s32 @!p0 $0x1C05  }
0xfd: {  	[timem:s3], [sflag:s2] =	dma.local @!p0 [hbm:s0], s1  }
0xfe: {  	s0 =	simm.s32 @!p0 $0x5  }
0xff: {  	_ =	swait.ge @!p0 [sflag:s0], s1  }
0x100: {  	s1 =	ssub.s32 @!p0 $0x0, s1;
	[sflag:s0] =	ssyncset.done @!p0 $0x0  }
0x101: {  	[sflag:s0] =	ssyncadd.s32 @!p0 s1  }
0x102: {  	[bflag:$0x3] =	sbarrier.arrive $0xFFFF  }
0x103: {  	_ =	shalt  }

</sc_bundles>
